<compile_context>
chip_gen: v7x
topology: tpu7x:2x2x1
jax: 0.10.2.dev20260603
libtpu: 0.0.44.dev20260713+nightly
codegen_flags: <defaults>
</compile_context>

<pallas_src>
import functools

import jax
import jax.numpy as jnp
from jax import lax
from jax.experimental import pallas as pl
from jax.experimental.pallas import tpu as pltpu
from jax.experimental.pallas import tpu_sc as plsc

N = 10000
E = 320000
D = 128

NC = 2
NS = 16
NW = NC * NS
B = 128
TPB = 80
EPAD = NW * TPB * B
PIDX = N
NH = 10240
RPT = NH // NS
NA = 10112
RPA = NA // NS

_mesh = plsc.VectorSubcoreMesh(core_axis_name="c", subcore_axis_name="s",
                               num_cores=NC)


@functools.partial(
    pl.kernel,
    out_type=jax.ShapeDtypeStruct((2, 2, NH), jnp.float32),
    mesh=_mesh,
    scratch_types=[
        pltpu.VMEM((TPB, B), jnp.int32),
        pltpu.VMEM((TPB, B), jnp.int32),
        pltpu.VMEM((B,), jnp.float32),
        pltpu.VMEM_SHARED((NH,), jnp.float32),
        pltpu.VMEM_SHARED((NH,), jnp.float32),
        pltpu.SemaphoreType.DMA,
        pltpu.SemaphoreType.DMA,
    ],
)
def _deg_kernel(srcp, dstp, ones_hbm, z_hbm, out, src_v, dst_v, ones_v,
                do_sh, di_sh, sda, sdb):
    c = lax.axis_index("c")
    s = lax.axis_index("s")
    wid = s * NC + c
    pltpu.sync_copy(srcp.at[wid], src_v)
    pltpu.sync_copy(dstp.at[wid], dst_v)
    pltpu.sync_copy(ones_hbm, ones_v)
    pltpu.sync_copy(z_hbm, do_sh.at[pl.ds(s * RPT, RPT)])
    pltpu.sync_copy(z_hbm, di_sh.at[pl.ds(s * RPT, RPT)])
    plsc.subcore_barrier()

    pltpu.async_copy(ones_v, do_sh.at[src_v.at[0]], sda, add=True)
    pltpu.async_copy(ones_v, di_sh.at[dst_v.at[0]], sdb, add=True)

    def body(j, carry):
        pltpu.async_copy(ones_v, do_sh.at[src_v.at[j]], sda, add=True)
        pltpu.async_copy(ones_v, di_sh.at[dst_v.at[j]], sdb, add=True)
        pltpu.make_async_copy(ones_v, do_sh.at[src_v.at[j]], sda).wait()
        pltpu.make_async_copy(ones_v, di_sh.at[dst_v.at[j]], sdb).wait()
        return carry

    lax.fori_loop(1, TPB, body, 0)
    pltpu.make_async_copy(ones_v, do_sh.at[src_v.at[0]], sda).wait()
    pltpu.make_async_copy(ones_v, di_sh.at[dst_v.at[0]], sdb).wait()
    plsc.subcore_barrier()
    pltpu.sync_copy(do_sh.at[pl.ds(s * RPT, RPT)],
                    out.at[0, c, pl.ds(s * RPT, RPT)])
    pltpu.sync_copy(di_sh.at[pl.ds(s * RPT, RPT)],
                    out.at[1, c, pl.ds(s * RPT, RPT)])


@functools.partial(
    pl.kernel,
    out_type=jax.ShapeDtypeStruct((NW * TPB * B, D), jnp.float32),
    mesh=_mesh,
    scratch_types=[
        pltpu.VMEM((TPB, B), jnp.int32),
        pltpu.VMEM((B, D), jnp.float32),
        pltpu.VMEM((B, D), jnp.float32),
        pltpu.VMEM_SHARED((NA, D), jnp.float32),
        pltpu.SemaphoreType.DMA,
        pltpu.SemaphoreType.DMA,
        pltpu.SemaphoreType.DMA,
        pltpu.SemaphoreType.DMA,
    ],
)
def _gather_kernel(ypad, srcp, msg, src_v, rows_a, rows_b, y_sh,
                   sga, sgb, swa, swb):
    c = lax.axis_index("c")
    s = lax.axis_index("s")
    wid = s * NC + c
    rsl = pl.ds(s * RPA, RPA)
    base = wid * (TPB * B)
    pltpu.sync_copy(srcp.at[wid], src_v)
    pltpu.sync_copy(ypad.at[rsl], y_sh.at[rsl])
    plsc.subcore_barrier()

    pltpu.async_copy(y_sh.at[src_v.at[0]], rows_a, sga)
    pltpu.async_copy(y_sh.at[src_v.at[1]], rows_b, sgb)

    def body(i, carry):
        j = i * 2
        jna = jnp.minimum(j + 2, TPB - 1)
        jnb = jnp.minimum(j + 3, TPB - 1)
        pltpu.make_async_copy(y_sh.at[src_v.at[j]], rows_a, sga).wait()
        pltpu.async_copy(rows_a, msg.at[pl.ds(base + j * B, B)], swa)
        pltpu.make_async_copy(y_sh.at[src_v.at[j]], rows_b, sgb).wait()
        pltpu.async_copy(rows_b, msg.at[pl.ds(base + (j + 1) * B, B)], swb)
        pltpu.make_async_copy(rows_a, msg.at[pl.ds(base + j * B, B)],
                              swa).wait()
        pltpu.async_copy(y_sh.at[src_v.at[jna]], rows_a, sga)
        pltpu.make_async_copy(rows_b, msg.at[pl.ds(base + (j + 1) * B, B)],
                              swb).wait()
        pltpu.async_copy(y_sh.at[src_v.at[jnb]], rows_b, sgb)
        return carry

    lax.fori_loop(0, TPB // 2, body, 0)
    pltpu.make_async_copy(y_sh.at[src_v.at[0]], rows_a, sga).wait()
    pltpu.make_async_copy(y_sh.at[src_v.at[0]], rows_b, sgb).wait()


@functools.partial(
    pl.kernel,
    out_type=jax.ShapeDtypeStruct((2, NA, D), jnp.float32),
    mesh=_mesh,
    scratch_types=[
        pltpu.VMEM((TPB, B), jnp.int32),
        pltpu.VMEM((B, D), jnp.float32),
        pltpu.VMEM((B, D), jnp.float32),
        pltpu.VMEM_SHARED((NA, D), jnp.float32),
        pltpu.SemaphoreType.DMA,
        pltpu.SemaphoreType.DMA,
    ],
)
def _scatter_kernel(msg, dstp, z_hbm, out, dst_v, rows_a, rows_b, acc_sh,
                    sra, srb):
    c = lax.axis_index("c")
    s = lax.axis_index("s")
    wid = s * NC + c
    rsl = pl.ds(s * RPA, RPA)
    base = wid * (TPB * B)
    pltpu.sync_copy(dstp.at[wid], dst_v)
    pltpu.sync_copy(z_hbm, acc_sh.at[rsl])
    plsc.subcore_barrier()

    pltpu.async_copy(msg.at[pl.ds(base, B)], rows_a, sra)
    pltpu.async_copy(msg.at[pl.ds(base + B, B)], rows_b, srb)

    def body(i, carry):
        j = i * 2
        jna = jnp.minimum(j + 2, TPB - 1)
        jnb = jnp.minimum(j + 3, TPB - 1)
        pltpu.make_async_copy(msg.at[pl.ds(base, B)], rows_a, sra).wait()
        pltpu.sync_copy(rows_a, acc_sh.at[dst_v.at[j]], add=True)
        pltpu.async_copy(msg.at[pl.ds(base + jna * B, B)], rows_a, sra)
        pltpu.make_async_copy(msg.at[pl.ds(base, B)], rows_b, srb).wait()
        pltpu.sync_copy(rows_b, acc_sh.at[dst_v.at[j + 1]], add=True)
        pltpu.async_copy(msg.at[pl.ds(base + jnb * B, B)], rows_b, srb)
        return carry

    lax.fori_loop(0, TPB // 2, body, 0)
    pltpu.make_async_copy(msg.at[pl.ds(base, B)], rows_a, sra).wait()
    pltpu.make_async_copy(msg.at[pl.ds(base, B)], rows_b, srb).wait()
    plsc.subcore_barrier()
    pltpu.sync_copy(acc_sh.at[rsl], out.at[c, rsl])


R = 1000


def _scale_matmul_body(x_r, d0_r, d1_r, w_r, y_r):
    deg = jnp.maximum(d0_r[...] + d1_r[...], 1.0)
    y_r[...] = jnp.dot(x_r[...] * lax.rsqrt(deg), w_r[...],
                       preferred_element_type=jnp.float32)


R2B = NA // 16
_scale_matmul = pl.pallas_call(
    _scale_matmul_body,
    grid=(16,),
    in_specs=[
        pl.BlockSpec((R2B, D), lambda i: (i, 0)),
        pl.BlockSpec((R2B, 1), lambda i: (i, 0)),
        pl.BlockSpec((R2B, 1), lambda i: (i, 0)),
        pl.BlockSpec((D, D), lambda i: (0, 0)),
    ],
    out_specs=pl.BlockSpec((R2B, D), lambda i: (i, 0)),
    out_shape=jax.ShapeDtypeStruct((NA, D), jnp.float32),
)


def _finish_body(p_r, d0_r, d1_r, b_r, o_r):
    deg = jnp.maximum(d0_r[...] + d1_r[...], 1.0)
    o_r[...] = (p_r[0] + p_r[1]) * lax.rsqrt(deg) + b_r[...]


_finish = pl.pallas_call(
    _finish_body,
    grid=(N // R,),
    in_specs=[
        pl.BlockSpec((2, R, D), lambda i: (0, i, 0)),
        pl.BlockSpec((R, 1), lambda i: (i, 0)),
        pl.BlockSpec((R, 1), lambda i: (i, 0)),
        pl.BlockSpec((1, D), lambda i: (0, 0)),
    ],
    out_specs=pl.BlockSpec((R, D), lambda i: (i, 0)),
    out_shape=jax.ShapeDtypeStruct((N, D), jnp.float32),
)


@jax.jit
def kernel(x, edge_index, W, b):
    src = edge_index[0]
    dst = edge_index[1]
    pad = EPAD - E
    srcp = jnp.concatenate(
        [src, jnp.full((pad,), PIDX, jnp.int32)]).reshape(NW, TPB, B)
    dstp = jnp.concatenate(
        [dst, jnp.full((pad,), PIDX, jnp.int32)]).reshape(NW, TPB, B)
    ones_b = jnp.ones((B,), jnp.float32)
    z1 = jnp.zeros((RPT,), jnp.float32)
    z2 = jnp.zeros((RPA, D), jnp.float32)

    deg = _deg_kernel(srcp, dstp, ones_b, z1)
    do0 = deg[0, 0, :N, None]
    do1 = deg[0, 1, :N, None]
    di0 = deg[1, 0, :N, None]
    di1 = deg[1, 1, :N, None]

    ypad = _scale_matmul(x, do0, do1, W)

    msg = _gather_kernel(ypad, srcp)
    p = _scatter_kernel(msg, dstp, z2)
    return _finish(p, di0, di1, b.reshape(1, D))

# --- scband reference (transcript-rebuilt; emitter-appended) ---
"""Pipeline reference for scband-graph-conv-custom-14267881357535 (READ-ONLY COPY).

The authoritative reference and input builder live on the scoring server;
editing this copy changes nothing except your own understanding.
"""

import math
import jax, jax.numpy as jnp
import numpy as np

N = 10000
E = 320000
DIN = 128
DOUT = 128


def setup_inputs(seed: int = 0) -> dict:
    key = jax.random.key(seed)
    k1, k2, k3 = jax.random.split(key, 3)
    x = jax.random.normal(k1, (N, DIN), dtype=jnp.float32)
    edge_index = jax.random.randint(k2, (2, E), 0, N, dtype=jnp.int32)
    limit = math.sqrt(6.0 / (DIN + DOUT))
    W = jax.random.uniform(k3, (DIN, DOUT), dtype=jnp.float32, minval=-limit, maxval=limit)
    b = jnp.zeros((DOUT,), dtype=jnp.float32)
    return {"x": x, "edge_index": edge_index, "W": W, "b": b}


def reference(x, edge_index, W, b):
    src = edge_index[0]
    dst = edge_index[1]
    # norm == 'both': left-normalize by out-degree of source nodes
    deg_out = jnp.bincount(src, length=N).astype(jnp.float32)
    deg_out = jnp.maximum(deg_out, 1.0)
    norm_src = deg_out ** (-0.5)
    feat = x * norm_src[:, None]
    # message passing: copy src feature, sum at dst (scatter-add)
    msg = jnp.take(feat, src, axis=0)
    agg = jax.ops.segment_sum(msg, dst, num_segments=N)
    # linear transform
    rst = jnp.matmul(agg, W)
    # right-normalize by in-degree of destination nodes
    deg_in = jnp.bincount(dst, length=N).astype(jnp.float32)
    deg_in = jnp.maximum(deg_in, 1.0)
    norm_dst = deg_in ** (-0.5)
    rst = rst * norm_dst[:, None]
    rst = rst + b
    return rst

if __name__ == "__main__":
    import jax
    _d = setup_inputs()
    print(jax.jit(kernel)(*tuple(_d.values())))

</pallas_src>

<mosaic_0001>
#map = affine_map<(d0, d1) -> (0, 0)>
#map1 = affine_map<(d0, d1) -> (0, 0, 0)>
module attributes {stable_mosaic.version = 14 : i64} {
  func.func @_scatter_kernel(%arg0: i32, %arg1: i32, %arg2: memref<327680x128xf32, #tpu.memory_space<hbm>>, %arg3: memref<32x80x128xi32, #tpu.memory_space<hbm>>, %arg4: memref<632x128xf32, #tpu.memory_space<hbm>>, %arg5: memref<2x10112x128xf32, #tpu.memory_space<hbm>>, %arg6: memref<80x128xi32, #tpu.memory_space<vmem>>, %arg7: memref<128x128xf32, #tpu.memory_space<vmem>>, %arg8: memref<128x128xf32, #tpu.memory_space<vmem>>, %arg9: memref<10112x128xf32, #tpu.memory_space<vmem_shared>>, %arg10: memref<!tpu.dma_semaphore, #tpu.memory_space<semaphore_mem>>, %arg11: memref<!tpu.dma_semaphore, #tpu.memory_space<semaphore_mem>>) attributes {dimension_semantics = [#tpu.dimension_semantics<core_parallel>, #tpu.dimension_semantics<subcore_parallel>], iteration_bounds = array<i64: 2, 16>, scalar_prefetch = 0 : i64, scratch_operands = 6 : i64, tpu.core_type = #tpu.core_type<sc_vector_subcore>, window_params = [{transform_indices = #map}, {transform_indices = #map1}, {transform_indices = #map}, {transform_indices = #map1}]} {
    %mul3A = arith.constant 2 : i32
    %mul3A_0 = arith.muli %arg1, %mul3A : i32
    %add3A = arith.addi %mul3A_0, %arg0 : i32
    %mul3A_1 = arith.constant 632 : i32
    %mul3A_2 = arith.muli %arg1, %mul3A_1 : i32
    %mul3A_3 = arith.constant 10240 : i32
    %mul3A_4 = arith.muli %add3A, %mul3A_3 : i32
    "tpu.region"() ({
      %run_scoped3A = tpu.sem_alloc : memref<!tpu.dma_semaphore, #tpu.memory_space<semaphore_mem>>
      %dma_start3A_27 = arith.constant 0 : i32
      %dma_start3A_28 = arith.constant 0 : i32
      %dma_start3A_29 = tpu.memref_slice %arg3[%add3A, %dma_start3A_27, %dma_start3A_28] : memref<32x80x128xi32, #tpu.memory_space<hbm>> -> memref<1x80x128xi32, #tpu.memory_space<hbm>>
      %dma_start3A_30 = tpu.memref_squeeze %dma_start3A_29 : memref<1x80x128xi32, #tpu.memory_space<hbm>> -> memref<80x128xi32, #tpu.memory_space<hbm>>
      %dma_start3A_31 = arith.constant 0 : i32
      %dma_start3A_32 = arith.constant 0 : i32
      %dma_start3A_33 = tpu.memref_slice %arg3[%add3A, %dma_start3A_31, %dma_start3A_32] : memref<32x80x128xi32, #tpu.memory_space<hbm>> -> memref<1x80x128xi32, #tpu.memory_space<hbm>>
      %dma_start3A_34 = tpu.memref_squeeze %dma_start3A_33 : memref<1x80x128xi32, #tpu.memory_space<hbm>> -> memref<80x128xi32, #tpu.memory_space<hbm>>
      tpu.enqueue_dma source(%dma_start3A_34 : memref<80x128xi32, #tpu.memory_space<hbm>>) target(%arg6 : memref<80x128xi32, #tpu.memory_space<vmem>>) target_semaphore(%run_scoped3A : memref<!tpu.dma_semaphore, #tpu.memory_space<semaphore_mem>>)
      %dma_wait3A_35 = arith.constant 0 : i32
      %dma_wait3A_36 = arith.constant 0 : i32
      %dma_wait3A_37 = tpu.memref_slice %arg3[%add3A, %dma_wait3A_35, %dma_wait3A_36] : memref<32x80x128xi32, #tpu.memory_space<hbm>> -> memref<1x80x128xi32, #tpu.memory_space<hbm>>
      %dma_wait3A_38 = tpu.memref_squeeze %dma_wait3A_37 : memref<1x80x128xi32, #tpu.memory_space<hbm>> -> memref<80x128xi32, #tpu.memory_space<hbm>>
      %dma_wait3A_39 = arith.constant 0 : i32
      %dma_wait3A_40 = arith.constant 0 : i32
      %dma_wait3A_41 = tpu.memref_slice %arg3[%add3A, %dma_wait3A_39, %dma_wait3A_40] : memref<32x80x128xi32, #tpu.memory_space<hbm>> -> memref<1x80x128xi32, #tpu.memory_space<hbm>>
      %dma_wait3A_42 = tpu.memref_squeeze %dma_wait3A_41 : memref<1x80x128xi32, #tpu.memory_space<hbm>> -> memref<80x128xi32, #tpu.memory_space<hbm>>
      tpu.wait_dma2 semaphore(%run_scoped3A : memref<!tpu.dma_semaphore, #tpu.memory_space<semaphore_mem>>) src(%dma_wait3A_42 : memref<80x128xi32, #tpu.memory_space<hbm>>) dst(%arg6 : memref<80x128xi32, #tpu.memory_space<vmem>>)
      tpu.yield
    }) : () -> ()
    "tpu.region"() ({
      %run_scoped3A = tpu.sem_alloc : memref<!tpu.dma_semaphore, #tpu.memory_space<semaphore_mem>>
      %dma_start3A_27 = arith.constant 0 : i32
      %dma_start3A_28 = tpu.memref_slice %arg9[%mul3A_2, %dma_start3A_27] : memref<10112x128xf32, #tpu.memory_space<vmem_shared>> -> memref<632x128xf32, #tpu.memory_space<vmem_shared>>
      tpu.enqueue_dma source(%arg4 : memref<632x128xf32, #tpu.memory_space<hbm>>) target(%dma_start3A_28 : memref<632x128xf32, #tpu.memory_space<vmem_shared>>) target_semaphore(%run_scoped3A : memref<!tpu.dma_semaphore, #tpu.memory_space<semaphore_mem>>)
      %dma_wait3A_29 = arith.constant 0 : i32
      %dma_wait3A_30 = tpu.memref_slice %arg9[%mul3A_2, %dma_wait3A_29] : memref<10112x128xf32, #tpu.memory_space<vmem_shared>> -> memref<632x128xf32, #tpu.memory_space<vmem_shared>>
      tpu.wait_dma2 semaphore(%run_scoped3A : memref<!tpu.dma_semaphore, #tpu.memory_space<semaphore_mem>>) src(%arg4 : memref<632x128xf32, #tpu.memory_space<hbm>>) dst(%dma_wait3A_30 : memref<632x128xf32, #tpu.memory_space<vmem_shared>>)
      tpu.yield
    }) : () -> ()
    %barrier3A = arith.constant 0 : index
    tpu.barrier barrier_id(%barrier3A)
    %dma_start3A = arith.constant 0 : i32
    %dma_start3A_5 = tpu.memref_slice %arg2[%mul3A_4, %dma_start3A] : memref<327680x128xf32, #tpu.memory_space<hbm>> -> memref<128x128xf32, #tpu.memory_space<hbm>>
    %dma_start3A_6 = arith.constant 0 : i32
    %dma_start3A_7 = tpu.memref_slice %arg2[%mul3A_4, %dma_start3A_6] : memref<327680x128xf32, #tpu.memory_space<hbm>> -> memref<128x128xf32, #tpu.memory_space<hbm>>
    tpu.enqueue_dma source(%dma_start3A_7 : memref<128x128xf32, #tpu.memory_space<hbm>>) target(%arg7 : memref<128x128xf32, #tpu.memory_space<vmem>>) target_semaphore(%arg10 : memref<!tpu.dma_semaphore, #tpu.memory_space<semaphore_mem>>)
    %add3A_8 = arith.constant 128 : i32
    %add3A_9 = arith.addi %mul3A_4, %add3A_8 : i32
    %dma_start3A_10 = arith.constant 0 : i32
    %dma_start3A_11 = tpu.memref_slice %arg2[%add3A_9, %dma_start3A_10] : memref<327680x128xf32, #tpu.memory_space<hbm>> -> memref<128x128xf32, #tpu.memory_space<hbm>>
    %dma_start3A_12 = arith.constant 0 : i32
    %dma_start3A_13 = tpu.memref_slice %arg2[%add3A_9, %dma_start3A_12] : memref<327680x128xf32, #tpu.memory_space<hbm>> -> memref<128x128xf32, #tpu.memory_space<hbm>>
    tpu.enqueue_dma source(%dma_start3A_13 : memref<128x128xf32, #tpu.memory_space<hbm>>) target(%arg8 : memref<128x128xf32, #tpu.memory_space<vmem>>) target_semaphore(%arg11 : memref<!tpu.dma_semaphore, #tpu.memory_space<semaphore_mem>>)
    %scan3A = arith.constant 0 : i32
    %scan3A_14 = arith.constant 0 : i32
    %scan3A_15 = arith.constant 40 : i32
    %scan3A_16 = arith.addi %scan3A_14, %scan3A_15 : i32
    %scan3A_17 = arith.constant 1 : i32
    scf.for %scan3A_27 = %scan3A_14 to %scan3A_16 step %scan3A_17  : i32 {
      %mul3A_28 = arith.constant 2 : i32
      %mul3A_29 = arith.muli %scan3A_27, %mul3A_28 : i32
      %add3A_30 = arith.constant 2 : i32
      %add3A_31 = arith.addi %mul3A_29, %add3A_30 : i32
      %min3A = arith.constant 79 : i32
      %min3A_32 = arith.minsi %add3A_31, %min3A : i32
      %add3A_33 = arith.constant 3 : i32
      %add3A_34 = arith.addi %mul3A_29, %add3A_33 : i32
      %min3A_35 = arith.constant 79 : i32
      %min3A_36 = arith.minsi %add3A_34, %min3A_35 : i32
      %dma_wait3A_37 = arith.constant 0 : i32
      %dma_wait3A_38 = tpu.memref_slice %arg2[%mul3A_4, %dma_wait3A_37] : memref<327680x128xf32, #tpu.memory_space<hbm>> -> memref<128x128xf32, #tpu.memory_space<hbm>>
      %dma_wait3A_39 = arith.constant 0 : i32
      %dma_wait3A_40 = tpu.memref_slice %arg2[%mul3A_4, %dma_wait3A_39] : memref<327680x128xf32, #tpu.memory_space<hbm>> -> memref<128x128xf32, #tpu.memory_space<hbm>>
      tpu.wait_dma2 semaphore(%arg10 : memref<!tpu.dma_semaphore, #tpu.memory_space<semaphore_mem>>) src(%dma_wait3A_40 : memref<128x128xf32, #tpu.memory_space<hbm>>) dst(%arg7 : memref<128x128xf32, #tpu.memory_space<vmem>>)
      "tpu.region"() ({
        %run_scoped3A = tpu.sem_alloc : memref<!tpu.dma_semaphore, #tpu.memory_space<semaphore_mem>>
        %dma_start3A_61 = arith.constant 0 : i32
        %dma_start3A_62 = tpu.memref_slice %arg6[%mul3A_29, %dma_start3A_61] : memref<80x128xi32, #tpu.memory_space<vmem>> -> memref<1x128xi32, #tpu.memory_space<vmem>>
        %dma_start3A_63 = tpu.memref_squeeze %dma_start3A_62 : memref<1x128xi32, #tpu.memory_space<vmem>> -> memref<128xi32, #tpu.memory_space<vmem>>
        %dma_start3A_64 = arith.constant 0 : i32
        %dma_start3A_65 = arith.constant 0 : i32
        %dma_start3A_66 = tpu.memref_slice %arg9[%dma_start3A_64, %dma_start3A_65] : memref<10112x128xf32, #tpu.memory_space<vmem_shared>> -> memref<10112x128xf32, #tpu.memory_space<vmem_shared>>
        tpu.enqueue_indirect_dma source(%arg7 : memref<128x128xf32, #tpu.memory_space<vmem>>) target(%dma_start3A_66 : memref<10112x128xf32, #tpu.memory_space<vmem_shared>>) offsets(%dma_start3A_63 : memref<128xi32, #tpu.memory_space<vmem>>) semaphore(%run_scoped3A : memref<!tpu.dma_semaphore, #tpu.memory_space<semaphore_mem>>) {add = true}
        %dma_wait3A_67 = arith.constant 0 : i32
        %dma_wait3A_68 = tpu.memref_slice %arg6[%mul3A_29, %dma_wait3A_67] : memref<80x128xi32, #tpu.memory_space<vmem>> -> memref<1x128xi32, #tpu.memory_space<vmem>>
        %dma_wait3A_69 = tpu.memref_squeeze %dma_wait3A_68 : memref<1x128xi32, #tpu.memory_space<vmem>> -> memref<128xi32, #tpu.memory_space<vmem>>
        %dma_wait3A_70 = arith.constant 0 : i32
        %dma_wait3A_71 = arith.constant 0 : i32
        %dma_wait3A_72 = tpu.memref_slice %arg9[%dma_wait3A_70, %dma_wait3A_71] : memref<10112x128xf32, #tpu.memory_space<vmem_shared>> -> memref<10112x128xf32, #tpu.memory_space<vmem_shared>>
        tpu.wait_indirect_dma semaphore(%run_scoped3A : memref<!tpu.dma_semaphore, #tpu.memory_space<semaphore_mem>>) src(%arg7 : memref<128x128xf32, #tpu.memory_space<vmem>>) dst(%dma_wait3A_72 : memref<10112x128xf32, #tpu.memory_space<vmem_shared>>)
        tpu.yield
      }) : () -> ()
      %mul3A_41 = arith.constant 128 : i32
      %mul3A_42 = arith.muli %min3A_32, %mul3A_41 : i32
      %add3A_43 = arith.addi %mul3A_4, %mul3A_42 : i32
      %dma_start3A_44 = arith.constant 0 : i32
      %dma_start3A_45 = tpu.memref_slice %arg2[%add3A_43, %dma_start3A_44] : memref<327680x128xf32, #tpu.memory_space<hbm>> -> memref<128x128xf32, #tpu.memory_space<hbm>>
      %dma_start3A_46 = arith.constant 0 : i32
      %dma_start3A_47 = tpu.memref_slice %arg2[%add3A_43, %dma_start3A_46] : memref<327680x128xf32, #tpu.memory_space<hbm>> -> memref<128x128xf32, #tpu.memory_space<hbm>>
      tpu.enqueue_dma source(%dma_start3A_47 : memref<128x128xf32, #tpu.memory_space<hbm>>) target(%arg7 : memref<128x128xf32, #tpu.memory_space<vmem>>) target_semaphore(%arg10 : memref<!tpu.dma_semaphore, #tpu.memory_space<semaphore_mem>>)
      %dma_wait3A_48 = arith.constant 0 : i32
      %dma_wait3A_49 = tpu.memref_slice %arg2[%mul3A_4, %dma_wait3A_48] : memref<327680x128xf32, #tpu.memory_space<hbm>> -> memref<128x128xf32, #tpu.memory_space<hbm>>
      %dma_wait3A_50 = arith.constant 0 : i32
      %dma_wait3A_51 = tpu.memref_slice %arg2[%mul3A_4, %dma_wait3A_50] : memref<327680x128xf32, #tpu.memory_space<hbm>> -> memref<128x128xf32, #tpu.memory_space<hbm>>
      tpu.wait_dma2 semaphore(%arg11 : memref<!tpu.dma_semaphore, #tpu.memory_space<semaphore_mem>>) src(%dma_wait3A_51 : memref<128x128xf32, #tpu.memory_space<hbm>>) dst(%arg8 : memref<128x128xf32, #tpu.memory_space<vmem>>)
      %add3A_52 = arith.constant 1 : i32
      %add3A_53 = arith.addi %mul3A_29, %add3A_52 : i32
      "tpu.region"() ({
        %run_scoped3A = tpu.sem_alloc : memref<!tpu.dma_semaphore, #tpu.memory_space<semaphore_mem>>
        %dma_start3A_61 = arith.constant 0 : i32
        %dma_start3A_62 = tpu.memref_slice %arg6[%add3A_53, %dma_start3A_61] : memref<80x128xi32, #tpu.memory_space<vmem>> -> memref<1x128xi32, #tpu.memory_space<vmem>>
        %dma_start3A_63 = tpu.memref_squeeze %dma_start3A_62 : memref<1x128xi32, #tpu.memory_space<vmem>> -> memref<128xi32, #tpu.memory_space<vmem>>
        %dma_start3A_64 = arith.constant 0 : i32
        %dma_start3A_65 = arith.constant 0 : i32
        %dma_start3A_66 = tpu.memref_slice %arg9[%dma_start3A_64, %dma_start3A_65] : memref<10112x128xf32, #tpu.memory_space<vmem_shared>> -> memref<10112x128xf32, #tpu.memory_space<vmem_shared>>
        tpu.enqueue_indirect_dma source(%arg8 : memref<128x128xf32, #tpu.memory_space<vmem>>) target(%dma_start3A_66 : memref<10112x128xf32, #tpu.memory_space<vmem_shared>>) offsets(%dma_start3A_63 : memref<128xi32, #tpu.memory_space<vmem>>) semaphore(%run_scoped3A : memref<!tpu.dma_semaphore, #tpu.memory_space<semaphore_mem>>) {add = true}
        %dma_wait3A_67 = arith.constant 0 : i32
        %dma_wait3A_68 = tpu.memref_slice %arg6[%add3A_53, %dma_wait3A_67] : memref<80x128xi32, #tpu.memory_space<vmem>> -> memref<1x128xi32, #tpu.memory_space<vmem>>
        %dma_wait3A_69 = tpu.memref_squeeze %dma_wait3A_68 : memref<1x128xi32, #tpu.memory_space<vmem>> -> memref<128xi32, #tpu.memory_space<vmem>>
        %dma_wait3A_70 = arith.constant 0 : i32
        %dma_wait3A_71 = arith.constant 0 : i32
        %dma_wait3A_72 = tpu.memref_slice %arg9[%dma_wait3A_70, %dma_wait3A_71] : memref<10112x128xf32, #tpu.memory_space<vmem_shared>> -> memref<10112x128xf32, #tpu.memory_space<vmem_shared>>
        tpu.wait_indirect_dma semaphore(%run_scoped3A : memref<!tpu.dma_semaphore, #tpu.memory_space<semaphore_mem>>) src(%arg8 : memref<128x128xf32, #tpu.memory_space<vmem>>) dst(%dma_wait3A_72 : memref<10112x128xf32, #tpu.memory_space<vmem_shared>>)
        tpu.yield
      }) : () -> ()
      %mul3A_54 = arith.constant 128 : i32
      %mul3A_55 = arith.muli %min3A_36, %mul3A_54 : i32
      %add3A_56 = arith.addi %mul3A_4, %mul3A_55 : i32
      %dma_start3A_57 = arith.constant 0 : i32
      %dma_start3A_58 = tpu.memref_slice %arg2[%add3A_56, %dma_start3A_57] : memref<327680x128xf32, #tpu.memory_space<hbm>> -> memref<128x128xf32, #tpu.memory_space<hbm>>
      %dma_start3A_59 = arith.constant 0 : i32
      %dma_start3A_60 = tpu.memref_slice %arg2[%add3A_56, %dma_start3A_59] : memref<327680x128xf32, #tpu.memory_space<hbm>> -> memref<128x128xf32, #tpu.memory_space<hbm>>
      tpu.enqueue_dma source(%dma_start3A_60 : memref<128x128xf32, #tpu.memory_space<hbm>>) target(%arg8 : memref<128x128xf32, #tpu.memory_space<vmem>>) target_semaphore(%arg11 : memref<!tpu.dma_semaphore, #tpu.memory_space<semaphore_mem>>)
    }
    %scan3A_18 = arith.constant 40 : i32
    %dma_wait3A = arith.constant 0 : i32
    %dma_wait3A_19 = tpu.memref_slice %arg2[%mul3A_4, %dma_wait3A] : memref<327680x128xf32, #tpu.memory_space<hbm>> -> memref<128x128xf32, #tpu.memory_space<hbm>>
    %dma_wait3A_20 = arith.constant 0 : i32
    %dma_wait3A_21 = tpu.memref_slice %arg2[%mul3A_4, %dma_wait3A_20] : memref<327680x128xf32, #tpu.memory_space<hbm>> -> memref<128x128xf32, #tpu.memory_space<hbm>>
    tpu.wait_dma2 semaphore(%arg10 : memref<!tpu.dma_semaphore, #tpu.memory_space<semaphore_mem>>) src(%dma_wait3A_21 : memref<128x128xf32, #tpu.memory_space<hbm>>) dst(%arg7 : memref<128x128xf32, #tpu.memory_space<vmem>>)
    %dma_wait3A_22 = arith.constant 0 : i32
    %dma_wait3A_23 = tpu.memref_slice %arg2[%mul3A_4, %dma_wait3A_22] : memref<327680x128xf32, #tpu.memory_space<hbm>> -> memref<128x128xf32, #tpu.memory_space<hbm>>
    %dma_wait3A_24 = arith.constant 0 : i32
    %dma_wait3A_25 = tpu.memref_slice %arg2[%mul3A_4, %dma_wait3A_24] : memref<327680x128xf32, #tpu.memory_space<hbm>> -> memref<128x128xf32, #tpu.memory_space<hbm>>
    tpu.wait_dma2 semaphore(%arg11 : memref<!tpu.dma_semaphore, #tpu.memory_space<semaphore_mem>>) src(%dma_wait3A_25 : memref<128x128xf32, #tpu.memory_space<hbm>>) dst(%arg8 : memref<128x128xf32, #tpu.memory_space<vmem>>)
    %barrier3A_26 = arith.constant 0 : index
    tpu.barrier barrier_id(%barrier3A_26)
    "tpu.region"() ({
      %run_scoped3A = tpu.sem_alloc : memref<!tpu.dma_semaphore, #tpu.memory_space<semaphore_mem>>
      %dma_start3A_27 = arith.constant 0 : i32
      %dma_start3A_28 = tpu.memref_slice %arg5[%arg0, %mul3A_2, %dma_start3A_27] : memref<2x10112x128xf32, #tpu.memory_space<hbm>> -> memref<1x632x128xf32, #tpu.memory_space<hbm>>
      %dma_start3A_29 = tpu.memref_squeeze %dma_start3A_28 : memref<1x632x128xf32, #tpu.memory_space<hbm>> -> memref<632x128xf32, #tpu.memory_space<hbm>>
      %dma_start3A_30 = arith.constant 0 : i32
      %dma_start3A_31 = tpu.memref_slice %arg9[%mul3A_2, %dma_start3A_30] : memref<10112x128xf32, #tpu.memory_space<vmem_shared>> -> memref<632x128xf32, #tpu.memory_space<vmem_shared>>
      tpu.enqueue_dma source(%dma_start3A_31 : memref<632x128xf32, #tpu.memory_space<vmem_shared>>) target(%dma_start3A_29 : memref<632x128xf32, #tpu.memory_space<hbm>>) target_semaphore(%run_scoped3A : memref<!tpu.dma_semaphore, #tpu.memory_space<semaphore_mem>>)
      %dma_wait3A_32 = arith.constant 0 : i32
      %dma_wait3A_33 = tpu.memref_slice %arg5[%arg0, %mul3A_2, %dma_wait3A_32] : memref<2x10112x128xf32, #tpu.memory_space<hbm>> -> memref<1x632x128xf32, #tpu.memory_space<hbm>>
      %dma_wait3A_34 = tpu.memref_squeeze %dma_wait3A_33 : memref<1x632x128xf32, #tpu.memory_space<hbm>> -> memref<632x128xf32, #tpu.memory_space<hbm>>
      %dma_wait3A_35 = arith.constant 0 : i32
      %dma_wait3A_36 = tpu.memref_slice %arg9[%mul3A_2, %dma_wait3A_35] : memref<10112x128xf32, #tpu.memory_space<vmem_shared>> -> memref<632x128xf32, #tpu.memory_space<vmem_shared>>
      tpu.wait_dma2 semaphore(%run_scoped3A : memref<!tpu.dma_semaphore, #tpu.memory_space<semaphore_mem>>) src(%dma_wait3A_36 : memref<632x128xf32, #tpu.memory_space<vmem_shared>>) dst(%dma_wait3A_34 : memref<632x128xf32, #tpu.memory_space<hbm>>)
      tpu.yield
    }) : () -> ()
    return
  }
}

#map = affine_map<(d0, d1) -> (0, 0, 0)>
#map1 = affine_map<(d0, d1) -> (0)>
module attributes {stable_mosaic.version = 14 : i64} {
  func.func @_deg_kernel(%arg0: i32, %arg1: i32, %arg2: memref<32x80x128xi32, #tpu.memory_space<hbm>>, %arg3: memref<32x80x128xi32, #tpu.memory_space<hbm>>, %arg4: memref<128xf32, #tpu.memory_space<hbm>>, %arg5: memref<640xf32, #tpu.memory_space<hbm>>, %arg6: memref<2x2x10240xf32, #tpu.memory_space<hbm>>, %arg7: memref<80x128xi32, #tpu.memory_space<vmem>>, %arg8: memref<80x128xi32, #tpu.memory_space<vmem>>, %arg9: memref<128xf32, #tpu.memory_space<vmem>>, %arg10: memref<10240xf32, #tpu.memory_space<vmem_shared>>, %arg11: memref<10240xf32, #tpu.memory_space<vmem_shared>>, %arg12: memref<!tpu.dma_semaphore, #tpu.memory_space<semaphore_mem>>, %arg13: memref<!tpu.dma_semaphore, #tpu.memory_space<semaphore_mem>>) attributes {dimension_semantics = [#tpu.dimension_semantics<core_parallel>, #tpu.dimension_semantics<subcore_parallel>], iteration_bounds = array<i64: 2, 16>, scalar_prefetch = 0 : i64, scratch_operands = 7 : i64, tpu.core_type = #tpu.core_type<sc_vector_subcore>, window_params = [{transform_indices = #map}, {transform_indices = #map}, {transform_indices = #map1}, {transform_indices = #map1}, {transform_indices = #map}]} {
    %mul3A = arith.constant 2 : i32
    %mul3A_0 = arith.muli %arg1, %mul3A : i32
    %add3A = arith.addi %mul3A_0, %arg0 : i32
    "tpu.region"() ({
      %run_scoped3A_42 = tpu.sem_alloc : memref<!tpu.dma_semaphore, #tpu.memory_space<semaphore_mem>>
      %dma_start3A_43 = arith.constant 0 : i32
      %dma_start3A_44 = arith.constant 0 : i32
      %dma_start3A_45 = tpu.memref_slice %arg2[%add3A, %dma_start3A_43, %dma_start3A_44] : memref<32x80x128xi32, #tpu.memory_space<hbm>> -> memref<1x80x128xi32, #tpu.memory_space<hbm>>
      %dma_start3A_46 = tpu.memref_squeeze %dma_start3A_45 : memref<1x80x128xi32, #tpu.memory_space<hbm>> -> memref<80x128xi32, #tpu.memory_space<hbm>>
      %dma_start3A_47 = arith.constant 0 : i32
      %dma_start3A_48 = arith.constant 0 : i32
      %dma_start3A_49 = tpu.memref_slice %arg2[%add3A, %dma_start3A_47, %dma_start3A_48] : memref<32x80x128xi32, #tpu.memory_space<hbm>> -> memref<1x80x128xi32, #tpu.memory_space<hbm>>
      %dma_start3A_50 = tpu.memref_squeeze %dma_start3A_49 : memref<1x80x128xi32, #tpu.memory_space<hbm>> -> memref<80x128xi32, #tpu.memory_space<hbm>>
      tpu.enqueue_dma source(%dma_start3A_50 : memref<80x128xi32, #tpu.memory_space<hbm>>) target(%arg7 : memref<80x128xi32, #tpu.memory_space<vmem>>) target_semaphore(%run_scoped3A_42 : memref<!tpu.dma_semaphore, #tpu.memory_space<semaphore_mem>>)
      %dma_wait3A_51 = arith.constant 0 : i32
      %dma_wait3A_52 = arith.constant 0 : i32
      %dma_wait3A_53 = tpu.memref_slice %arg2[%add3A, %dma_wait3A_51, %dma_wait3A_52] : memref<32x80x128xi32, #tpu.memory_space<hbm>> -> memref<1x80x128xi32, #tpu.memory_space<hbm>>
      %dma_wait3A_54 = tpu.memref_squeeze %dma_wait3A_53 : memref<1x80x128xi32, #tpu.memory_space<hbm>> -> memref<80x128xi32, #tpu.memory_space<hbm>>
      %dma_wait3A_55 = arith.constant 0 : i32
      %dma_wait3A_56 = arith.constant 0 : i32
      %dma_wait3A_57 = tpu.memref_slice %arg2[%add3A, %dma_wait3A_55, %dma_wait3A_56] : memref<32x80x128xi32, #tpu.memory_space<hbm>> -> memref<1x80x128xi32, #tpu.memory_space<hbm>>
      %dma_wait3A_58 = tpu.memref_squeeze %dma_wait3A_57 : memref<1x80x128xi32, #tpu.memory_space<hbm>> -> memref<80x128xi32, #tpu.memory_space<hbm>>
      tpu.wait_dma2 semaphore(%run_scoped3A_42 : memref<!tpu.dma_semaphore, #tpu.memory_space<semaphore_mem>>) src(%dma_wait3A_58 : memref<80x128xi32, #tpu.memory_space<hbm>>) dst(%arg7 : memref<80x128xi32, #tpu.memory_space<vmem>>)
      tpu.yield
    }) : () -> ()
    "tpu.region"() ({
      %run_scoped3A_42 = tpu.sem_alloc : memref<!tpu.dma_semaphore, #tpu.memory_space<semaphore_mem>>
      %dma_start3A_43 = arith.constant 0 : i32
      %dma_start3A_44 = arith.constant 0 : i32
      %dma_start3A_45 = tpu.memref_slice %arg3[%add3A, %dma_start3A_43, %dma_start3A_44] : memref<32x80x128xi32, #tpu.memory_space<hbm>> -> memref<1x80x128xi32, #tpu.memory_space<hbm>>
      %dma_start3A_46 = tpu.memref_squeeze %dma_start3A_45 : memref<1x80x128xi32, #tpu.memory_space<hbm>> -> memref<80x128xi32, #tpu.memory_space<hbm>>
      %dma_start3A_47 = arith.constant 0 : i32
      %dma_start3A_48 = arith.constant 0 : i32
      %dma_start3A_49 = tpu.memref_slice %arg3[%add3A, %dma_start3A_47, %dma_start3A_48] : memref<32x80x128xi32, #tpu.memory_space<hbm>> -> memref<1x80x128xi32, #tpu.memory_space<hbm>>
      %dma_start3A_50 = tpu.memref_squeeze %dma_start3A_49 : memref<1x80x128xi32, #tpu.memory_space<hbm>> -> memref<80x128xi32, #tpu.memory_space<hbm>>
      tpu.enqueue_dma source(%dma_start3A_50 : memref<80x128xi32, #tpu.memory_space<hbm>>) target(%arg8 : memref<80x128xi32, #tpu.memory_space<vmem>>) target_semaphore(%run_scoped3A_42 : memref<!tpu.dma_semaphore, #tpu.memory_space<semaphore_mem>>)
      %dma_wait3A_51 = arith.constant 0 : i32
      %dma_wait3A_52 = arith.constant 0 : i32
      %dma_wait3A_53 = tpu.memref_slice %arg3[%add3A, %dma_wait3A_51, %dma_wait3A_52] : memref<32x80x128xi32, #tpu.memory_space<hbm>> -> memref<1x80x128xi32, #tpu.memory_space<hbm>>
      %dma_wait3A_54 = tpu.memref_squeeze %dma_wait3A_53 : memref<1x80x128xi32, #tpu.memory_space<hbm>> -> memref<80x128xi32, #tpu.memory_space<hbm>>
      %dma_wait3A_55 = arith.constant 0 : i32
      %dma_wait3A_56 = arith.constant 0 : i32
      %dma_wait3A_57 = tpu.memref_slice %arg3[%add3A, %dma_wait3A_55, %dma_wait3A_56] : memref<32x80x128xi32, #tpu.memory_space<hbm>> -> memref<1x80x128xi32, #tpu.memory_space<hbm>>
      %dma_wait3A_58 = tpu.memref_squeeze %dma_wait3A_57 : memref<1x80x128xi32, #tpu.memory_space<hbm>> -> memref<80x128xi32, #tpu.memory_space<hbm>>
      tpu.wait_dma2 semaphore(%run_scoped3A_42 : memref<!tpu.dma_semaphore, #tpu.memory_space<semaphore_mem>>) src(%dma_wait3A_58 : memref<80x128xi32, #tpu.memory_space<hbm>>) dst(%arg8 : memref<80x128xi32, #tpu.memory_space<vmem>>)
      tpu.yield
    }) : () -> ()
    "tpu.region"() ({
      %run_scoped3A_42 = tpu.sem_alloc : memref<!tpu.dma_semaphore, #tpu.memory_space<semaphore_mem>>
      tpu.enqueue_dma source(%arg4 : memref<128xf32, #tpu.memory_space<hbm>>) target(%arg9 : memref<128xf32, #tpu.memory_space<vmem>>) target_semaphore(%run_scoped3A_42 : memref<!tpu.dma_semaphore, #tpu.memory_space<semaphore_mem>>)
      tpu.wait_dma2 semaphore(%run_scoped3A_42 : memref<!tpu.dma_semaphore, #tpu.memory_space<semaphore_mem>>) src(%arg4 : memref<128xf32, #tpu.memory_space<hbm>>) dst(%arg9 : memref<128xf32, #tpu.memory_space<vmem>>)
      tpu.yield
    }) : () -> ()
    %mul3A_1 = arith.constant 640 : i32
    %mul3A_2 = arith.muli %arg1, %mul3A_1 : i32
    "tpu.region"() ({
      %run_scoped3A_42 = tpu.sem_alloc : memref<!tpu.dma_semaphore, #tpu.memory_space<semaphore_mem>>
      %dma_start3A_43 = tpu.memref_slice %arg10[%mul3A_2] : memref<10240xf32, #tpu.memory_space<vmem_shared>> -> memref<640xf32, #tpu.memory_space<vmem_shared>>
      tpu.enqueue_dma source(%arg5 : memref<640xf32, #tpu.memory_space<hbm>>) target(%dma_start3A_43 : memref<640xf32, #tpu.memory_space<vmem_shared>>) target_semaphore(%run_scoped3A_42 : memref<!tpu.dma_semaphore, #tpu.memory_space<semaphore_mem>>)
      %dma_wait3A_44 = tpu.memref_slice %arg10[%mul3A_2] : memref<10240xf32, #tpu.memory_space<vmem_shared>> -> memref<640xf32, #tpu.memory_space<vmem_shared>>
      tpu.wait_dma2 semaphore(%run_scoped3A_42 : memref<!tpu.dma_semaphore, #tpu.memory_space<semaphore_mem>>) src(%arg5 : memref<640xf32, #tpu.memory_space<hbm>>) dst(%dma_wait3A_44 : memref<640xf32, #tpu.memory_space<vmem_shared>>)
      tpu.yield
    }) : () -> ()
    %mul3A_3 = arith.constant 640 : i32
    %mul3A_4 = arith.muli %arg1, %mul3A_3 : i32
    "tpu.region"() ({
      %run_scoped3A_42 = tpu.sem_alloc : memref<!tpu.dma_semaphore, #tpu.memory_space<semaphore_mem>>
      %dma_start3A_43 = tpu.memref_slice %arg11[%mul3A_4] : memref<10240xf32, #tpu.memory_space<vmem_shared>> -> memref<640xf32, #tpu.memory_space<vmem_shared>>
      tpu.enqueue_dma source(%arg5 : memref<640xf32, #tpu.memory_space<hbm>>) target(%dma_start3A_43 : memref<640xf32, #tpu.memory_space<vmem_shared>>) target_semaphore(%run_scoped3A_42 : memref<!tpu.dma_semaphore, #tpu.memory_space<semaphore_mem>>)
      %dma_wait3A_44 = tpu.memref_slice %arg11[%mul3A_4] : memref<10240xf32, #tpu.memory_space<vmem_shared>> -> memref<640xf32, #tpu.memory_space<vmem_shared>>
      tpu.wait_dma2 semaphore(%run_scoped3A_42 : memref<!tpu.dma_semaphore, #tpu.memory_space<semaphore_mem>>) src(%arg5 : memref<640xf32, #tpu.memory_space<hbm>>) dst(%dma_wait3A_44 : memref<640xf32, #tpu.memory_space<vmem_shared>>)
      tpu.yield
    }) : () -> ()
    %barrier3A = arith.constant 0 : index
    tpu.barrier barrier_id(%barrier3A)
    %dma_start3A = arith.constant 0 : i32
    %dma_start3A_5 = arith.constant 0 : i32
    %dma_start3A_6 = tpu.memref_slice %arg7[%dma_start3A, %dma_start3A_5] : memref<80x128xi32, #tpu.memory_space<vmem>> -> memref<1x128xi32, #tpu.memory_space<vmem>>
    %dma_start3A_7 = tpu.memref_squeeze %dma_start3A_6 : memref<1x128xi32, #tpu.memory_space<vmem>> -> memref<128xi32, #tpu.memory_space<vmem>>
    %dma_start3A_8 = arith.constant 0 : i32
    %dma_start3A_9 = tpu.memref_slice %arg10[%dma_start3A_8] : memref<10240xf32, #tpu.memory_space<vmem_shared>> -> memref<10240xf32, #tpu.memory_space<vmem_shared>>
    tpu.enqueue_indirect_dma source(%arg9 : memref<128xf32, #tpu.memory_space<vmem>>) target(%dma_start3A_9 : memref<10240xf32, #tpu.memory_space<vmem_shared>>) offsets(%dma_start3A_7 : memref<128xi32, #tpu.memory_space<vmem>>) semaphore(%arg12 : memref<!tpu.dma_semaphore, #tpu.memory_space<semaphore_mem>>) {add = true}
    %dma_start3A_10 = arith.constant 0 : i32
    %dma_start3A_11 = arith.constant 0 : i32
    %dma_start3A_12 = tpu.memref_slice %arg8[%dma_start3A_10, %dma_start3A_11] : memref<80x128xi32, #tpu.memory_space<vmem>> -> memref<1x128xi32, #tpu.memory_space<vmem>>
    %dma_start3A_13 = tpu.memref_squeeze %dma_start3A_12 : memref<1x128xi32, #tpu.memory_space<vmem>> -> memref<128xi32, #tpu.memory_space<vmem>>
    %dma_start3A_14 = arith.constant 0 : i32
    %dma_start3A_15 = tpu.memref_slice %arg11[%dma_start3A_14] : memref<10240xf32, #tpu.memory_space<vmem_shared>> -> memref<10240xf32, #tpu.memory_space<vmem_shared>>
    tpu.enqueue_indirect_dma source(%arg9 : memref<128xf32, #tpu.memory_space<vmem>>) target(%dma_start3A_15 : memref<10240xf32, #tpu.memory_space<vmem_shared>>) offsets(%dma_start3A_13 : memref<128xi32, #tpu.memory_space<vmem>>) semaphore(%arg13 : memref<!tpu.dma_semaphore, #tpu.memory_space<semaphore_mem>>) {add = true}
    %scan3A = arith.constant 0 : i32
    %scan3A_16 = arith.constant 1 : i32
    %scan3A_17 = arith.constant 79 : i32
    %scan3A_18 = arith.addi %scan3A_16, %scan3A_17 : i32
    %scan3A_19 = arith.constant 1 : i32
    scf.for %scan3A_42 = %scan3A_16 to %scan3A_18 step %scan3A_19  : i32 {
      %dma_start3A_43 = arith.constant 0 : i32
      %dma_start3A_44 = tpu.memref_slice %arg7[%scan3A_42, %dma_start3A_43] : memref<80x128xi32, #tpu.memory_space<vmem>> -> memref<1x128xi32, #tpu.memory_space<vmem>>
      %dma_start3A_45 = tpu.memref_squeeze %dma_start3A_44 : memref<1x128xi32, #tpu.memory_space<vmem>> -> memref<128xi32, #tpu.memory_space<vmem>>
      %dma_start3A_46 = arith.constant 0 : i32
      %dma_start3A_47 = tpu.memref_slice %arg10[%dma_start3A_46] : memref<10240xf32, #tpu.memory_space<vmem_shared>> -> memref<10240xf32, #tpu.memory_space<vmem_shared>>
      tpu.enqueue_indirect_dma source(%arg9 : memref<128xf32, #tpu.memory_space<vmem>>) target(%dma_start3A_47 : memref<10240xf32, #tpu.memory_space<vmem_shared>>) offsets(%dma_start3A_45 : memref<128xi32, #tpu.memory_space<vmem>>) semaphore(%arg12 : memref<!tpu.dma_semaphore, #tpu.memory_space<semaphore_mem>>) {add = true}
      %dma_start3A_48 = arith.constant 0 : i32
      %dma_start3A_49 = tpu.memref_slice %arg8[%scan3A_42, %dma_start3A_48] : memref<80x128xi32, #tpu.memory_space<vmem>> -> memref<1x128xi32, #tpu.memory_space<vmem>>
      %dma_start3A_50 = tpu.memref_squeeze %dma_start3A_49 : memref<1x128xi32, #tpu.memory_space<vmem>> -> memref<128xi32, #tpu.memory_space<vmem>>
      %dma_start3A_51 = arith.constant 0 : i32
      %dma_start3A_52 = tpu.memref_slice %arg11[%dma_start3A_51] : memref<10240xf32, #tpu.memory_space<vmem_shared>> -> memref<10240xf32, #tpu.memory_space<vmem_shared>>
      tpu.enqueue_indirect_dma source(%arg9 : memref<128xf32, #tpu.memory_space<vmem>>) target(%dma_start3A_52 : memref<10240xf32, #tpu.memory_space<vmem_shared>>) offsets(%dma_start3A_50 : memref<128xi32, #tpu.memory_space<vmem>>) semaphore(%arg13 : memref<!tpu.dma_semaphore, #tpu.memory_space<semaphore_mem>>) {add = true}
      %dma_wait3A_53 = arith.constant 0 : i32
      %dma_wait3A_54 = tpu.memref_slice %arg7[%scan3A_42, %dma_wait3A_53] : memref<80x128xi32, #tpu.memory_space<vmem>> -> memref<1x128xi32, #tpu.memory_space<vmem>>
      %dma_wait3A_55 = tpu.memref_squeeze %dma_wait3A_54 : memref<1x128xi32, #tpu.memory_space<vmem>> -> memref<128xi32, #tpu.memory_space<vmem>>
      %dma_wait3A_56 = arith.constant 0 : i32
      %dma_wait3A_57 = tpu.memref_slice %arg10[%dma_wait3A_56] : memref<10240xf32, #tpu.memory_space<vmem_shared>> -> memref<10240xf32, #tpu.memory_space<vmem_shared>>
      tpu.wait_indirect_dma semaphore(%arg12 : memref<!tpu.dma_semaphore, #tpu.memory_space<semaphore_mem>>) src(%arg9 : memref<128xf32, #tpu.memory_space<vmem>>) dst(%dma_wait3A_57 : memref<10240xf32, #tpu.memory_space<vmem_shared>>)
      %dma_wait3A_58 = arith.constant 0 : i32
      %dma_wait3A_59 = tpu.memref_slice %arg8[%scan3A_42, %dma_wait3A_58] : memref<80x128xi32, #tpu.memory_space<vmem>> -> memref<1x128xi32, #tpu.memory_space<vmem>>
      %dma_wait3A_60 = tpu.memref_squeeze %dma_wait3A_59 : memref<1x128xi32, #tpu.memory_space<vmem>> -> memref<128xi32, #tpu.memory_space<vmem>>
      %dma_wait3A_61 = arith.constant 0 : i32
      %dma_wait3A_62 = tpu.memref_slice %arg11[%dma_wait3A_61] : memref<10240xf32, #tpu.memory_space<vmem_shared>> -> memref<10240xf32, #tpu.memory_space<vmem_shared>>
      tpu.wait_indirect_dma semaphore(%arg13 : memref<!tpu.dma_semaphore, #tpu.memory_space<semaphore_mem>>) src(%arg9 : memref<128xf32, #tpu.memory_space<vmem>>) dst(%dma_wait3A_62 : memref<10240xf32, #tpu.memory_space<vmem_shared>>)
    }
    %scan3A_20 = arith.constant 79 : i32
    %dma_wait3A = arith.constant 0 : i32
    %dma_wait3A_21 = arith.constant 0 : i32
    %dma_wait3A_22 = tpu.memref_slice %arg7[%dma_wait3A, %dma_wait3A_21] : memref<80x128xi32, #tpu.memory_space<vmem>> -> memref<1x128xi32, #tpu.memory_space<vmem>>
    %dma_wait3A_23 = tpu.memref_squeeze %dma_wait3A_22 : memref<1x128xi32, #tpu.memory_space<vmem>> -> memref<128xi32, #tpu.memory_space<vmem>>
    %dma_wait3A_24 = arith.constant 0 : i32
    %dma_wait3A_25 = tpu.memref_slice %arg10[%dma_wait3A_24] : memref<10240xf32, #tpu.memory_space<vmem_shared>> -> memref<10240xf32, #tpu.memory_space<vmem_shared>>
    tpu.wait_indirect_dma semaphore(%arg12 : memref<!tpu.dma_semaphore, #tpu.memory_space<semaphore_mem>>) src(%arg9 : memref<128xf32, #tpu.memory_space<vmem>>) dst(%dma_wait3A_25 : memref<10240xf32, #tpu.memory_space<vmem_shared>>)
    %dma_wait3A_26 = arith.constant 0 : i32
    %dma_wait3A_27 = arith.constant 0 : i32
    %dma_wait3A_28 = tpu.memref_slice %arg8[%dma_wait3A_26, %dma_wait3A_27] : memref<80x128xi32, #tpu.memory_space<vmem>> -> memref<1x128xi32, #tpu.memory_space<vmem>>
    %dma_wait3A_29 = tpu.memref_squeeze %dma_wait3A_28 : memref<1x128xi32, #tpu.memory_space<vmem>> -> memref<128xi32, #tpu.memory_space<vmem>>
    %dma_wait3A_30 = arith.constant 0 : i32
    %dma_wait3A_31 = tpu.memref_slice %arg11[%dma_wait3A_30] : memref<10240xf32, #tpu.memory_space<vmem_shared>> -> memref<10240xf32, #tpu.memory_space<vmem_shared>>
    tpu.wait_indirect_dma semaphore(%arg13 : memref<!tpu.dma_semaphore, #tpu.memory_space<semaphore_mem>>) src(%arg9 : memref<128xf32, #tpu.memory_space<vmem>>) dst(%dma_wait3A_31 : memref<10240xf32, #tpu.memory_space<vmem_shared>>)
    %barrier3A_32 = arith.constant 0 : index
    tpu.barrier barrier_id(%barrier3A_32)
    %mul3A_33 = arith.constant 640 : i32
    %mul3A_34 = arith.muli %arg1, %mul3A_33 : i32
    %mul3A_35 = arith.constant 640 : i32
    %mul3A_36 = arith.muli %arg1, %mul3A_35 : i32
    %run_scoped3A = arith.constant 0 : i32
    "tpu.region"() ({
      %run_scoped3A_42 = tpu.sem_alloc : memref<!tpu.dma_semaphore, #tpu.memory_space<semaphore_mem>>
      %dma_start3A_43 = tpu.memref_slice %arg6[%run_scoped3A, %arg0, %mul3A_36] : memref<2x2x10240xf32, #tpu.memory_space<hbm>> -> memref<1x1x640xf32, #tpu.memory_space<hbm>>
      %dma_start3A_44 = tpu.memref_squeeze %dma_start3A_43 : memref<1x1x640xf32, #tpu.memory_space<hbm>> -> memref<640xf32, #tpu.memory_space<hbm>>
      %dma_start3A_45 = tpu.memref_slice %arg10[%mul3A_34] : memref<10240xf32, #tpu.memory_space<vmem_shared>> -> memref<640xf32, #tpu.memory_space<vmem_shared>>
      tpu.enqueue_dma source(%dma_start3A_45 : memref<640xf32, #tpu.memory_space<vmem_shared>>) target(%dma_start3A_44 : memref<640xf32, #tpu.memory_space<hbm>>) target_semaphore(%run_scoped3A_42 : memref<!tpu.dma_semaphore, #tpu.memory_space<semaphore_mem>>)
      %dma_wait3A_46 = tpu.memref_slice %arg6[%run_scoped3A, %arg0, %mul3A_36] : memref<2x2x10240xf32, #tpu.memory_space<hbm>> -> memref<1x1x640xf32, #tpu.memory_space<hbm>>
      %dma_wait3A_47 = tpu.memref_squeeze %dma_wait3A_46 : memref<1x1x640xf32, #tpu.memory_space<hbm>> -> memref<640xf32, #tpu.memory_space<hbm>>
      %dma_wait3A_48 = tpu.memref_slice %arg10[%mul3A_34] : memref<10240xf32, #tpu.memory_space<vmem_shared>> -> memref<640xf32, #tpu.memory_space<vmem_shared>>
      tpu.wait_dma2 semaphore(%run_scoped3A_42 : memref<!tpu.dma_semaphore, #tpu.memory_space<semaphore_mem>>) src(%dma_wait3A_48 : memref<640xf32, #tpu.memory_space<vmem_shared>>) dst(%dma_wait3A_47 : memref<640xf32, #tpu.memory_space<hbm>>)
      tpu.yield
    }) : () -> ()
    %mul3A_37 = arith.constant 640 : i32
    %mul3A_38 = arith.muli %arg1, %mul3A_37 : i32
    %mul3A_39 = arith.constant 640 : i32
    %mul3A_40 = arith.muli %arg1, %mul3A_39 : i32
    %run_scoped3A_41 = arith.constant 1 : i32
    "tpu.region"() ({
      %run_scoped3A_42 = tpu.sem_alloc : memref<!tpu.dma_semaphore, #tpu.memory_space<semaphore_mem>>
      %dma_start3A_43 = tpu.memref_slice %arg6[%run_scoped3A_41, %arg0, %mul3A_40] : memref<2x2x10240xf32, #tpu.memory_space<hbm>> -> memref<1x1x640xf32, #tpu.memory_space<hbm>>
      %dma_start3A_44 = tpu.memref_squeeze %dma_start3A_43 : memref<1x1x640xf32, #tpu.memory_space<hbm>> -> memref<640xf32, #tpu.memory_space<hbm>>
      %dma_start3A_45 = tpu.memref_slice %arg11[%mul3A_38] : memref<10240xf32, #tpu.memory_space<vmem_shared>> -> memref<640xf32, #tpu.memory_space<vmem_shared>>
      tpu.enqueue_dma source(%dma_start3A_45 : memref<640xf32, #tpu.memory_space<vmem_shared>>) target(%dma_start3A_44 : memref<640xf32, #tpu.memory_space<hbm>>) target_semaphore(%run_scoped3A_42 : memref<!tpu.dma_semaphore, #tpu.memory_space<semaphore_mem>>)
      %dma_wait3A_46 = tpu.memref_slice %arg6[%run_scoped3A_41, %arg0, %mul3A_40] : memref<2x2x10240xf32, #tpu.memory_space<hbm>> -> memref<1x1x640xf32, #tpu.memory_space<hbm>>
      %dma_wait3A_47 = tpu.memref_squeeze %dma_wait3A_46 : memref<1x1x640xf32, #tpu.memory_space<hbm>> -> memref<640xf32, #tpu.memory_space<hbm>>
      %dma_wait3A_48 = tpu.memref_slice %arg11[%mul3A_38] : memref<10240xf32, #tpu.memory_space<vmem_shared>> -> memref<640xf32, #tpu.memory_space<vmem_shared>>
      tpu.wait_dma2 semaphore(%run_scoped3A_42 : memref<!tpu.dma_semaphore, #tpu.memory_space<semaphore_mem>>) src(%dma_wait3A_48 : memref<640xf32, #tpu.memory_space<vmem_shared>>) dst(%dma_wait3A_47 : memref<640xf32, #tpu.memory_space<hbm>>)
      tpu.yield
    }) : () -> ()
    return
  }
}

#map = affine_map<(d0, d1) -> (0, 0)>
#map1 = affine_map<(d0, d1) -> (0, 0, 0)>
module attributes {stable_mosaic.version = 14 : i64} {
  func.func @_gather_kernel(%arg0: i32, %arg1: i32, %arg2: memref<10112x128xf32, #tpu.memory_space<hbm>>, %arg3: memref<32x80x128xi32, #tpu.memory_space<hbm>>, %arg4: memref<327680x128xf32, #tpu.memory_space<hbm>>, %arg5: memref<80x128xi32, #tpu.memory_space<vmem>>, %arg6: memref<128x128xf32, #tpu.memory_space<vmem>>, %arg7: memref<128x128xf32, #tpu.memory_space<vmem>>, %arg8: memref<10112x128xf32, #tpu.memory_space<vmem_shared>>, %arg9: memref<!tpu.dma_semaphore, #tpu.memory_space<semaphore_mem>>, %arg10: memref<!tpu.dma_semaphore, #tpu.memory_space<semaphore_mem>>, %arg11: memref<!tpu.dma_semaphore, #tpu.memory_space<semaphore_mem>>, %arg12: memref<!tpu.dma_semaphore, #tpu.memory_space<semaphore_mem>>) attributes {dimension_semantics = [#tpu.dimension_semantics<core_parallel>, #tpu.dimension_semantics<subcore_parallel>], iteration_bounds = array<i64: 2, 16>, scalar_prefetch = 0 : i64, scratch_operands = 8 : i64, tpu.core_type = #tpu.core_type<sc_vector_subcore>, window_params = [{transform_indices = #map}, {transform_indices = #map1}, {transform_indices = #map}]} {
    %mul3A = arith.constant 2 : i32
    %mul3A_0 = arith.muli %arg1, %mul3A : i32
    %add3A = arith.addi %mul3A_0, %arg0 : i32
    %mul3A_1 = arith.constant 632 : i32
    %mul3A_2 = arith.muli %arg1, %mul3A_1 : i32
    %mul3A_3 = arith.constant 10240 : i32
    %mul3A_4 = arith.muli %add3A, %mul3A_3 : i32
    "tpu.region"() ({
      %run_scoped3A = tpu.sem_alloc : memref<!tpu.dma_semaphore, #tpu.memory_space<semaphore_mem>>
      %dma_start3A_36 = arith.constant 0 : i32
      %dma_start3A_37 = arith.constant 0 : i32
      %dma_start3A_38 = tpu.memref_slice %arg3[%add3A, %dma_start3A_36, %dma_start3A_37] : memref<32x80x128xi32, #tpu.memory_space<hbm>> -> memref<1x80x128xi32, #tpu.memory_space<hbm>>
      %dma_start3A_39 = tpu.memref_squeeze %dma_start3A_38 : memref<1x80x128xi32, #tpu.memory_space<hbm>> -> memref<80x128xi32, #tpu.memory_space<hbm>>
      %dma_start3A_40 = arith.constant 0 : i32
      %dma_start3A_41 = arith.constant 0 : i32
      %dma_start3A_42 = tpu.memref_slice %arg3[%add3A, %dma_start3A_40, %dma_start3A_41] : memref<32x80x128xi32, #tpu.memory_space<hbm>> -> memref<1x80x128xi32, #tpu.memory_space<hbm>>
      %dma_start3A_43 = tpu.memref_squeeze %dma_start3A_42 : memref<1x80x128xi32, #tpu.memory_space<hbm>> -> memref<80x128xi32, #tpu.memory_space<hbm>>
      tpu.enqueue_dma source(%dma_start3A_43 : memref<80x128xi32, #tpu.memory_space<hbm>>) target(%arg5 : memref<80x128xi32, #tpu.memory_space<vmem>>) target_semaphore(%run_scoped3A : memref<!tpu.dma_semaphore, #tpu.memory_space<semaphore_mem>>)
      %dma_wait3A_44 = arith.constant 0 : i32
      %dma_wait3A_45 = arith.constant 0 : i32
      %dma_wait3A_46 = tpu.memref_slice %arg3[%add3A, %dma_wait3A_44, %dma_wait3A_45] : memref<32x80x128xi32, #tpu.memory_space<hbm>> -> memref<1x80x128xi32, #tpu.memory_space<hbm>>
      %dma_wait3A_47 = tpu.memref_squeeze %dma_wait3A_46 : memref<1x80x128xi32, #tpu.memory_space<hbm>> -> memref<80x128xi32, #tpu.memory_space<hbm>>
      %dma_wait3A_48 = arith.constant 0 : i32
      %dma_wait3A_49 = arith.constant 0 : i32
      %dma_wait3A_50 = tpu.memref_slice %arg3[%add3A, %dma_wait3A_48, %dma_wait3A_49] : memref<32x80x128xi32, #tpu.memory_space<hbm>> -> memref<1x80x128xi32, #tpu.memory_space<hbm>>
      %dma_wait3A_51 = tpu.memref_squeeze %dma_wait3A_50 : memref<1x80x128xi32, #tpu.memory_space<hbm>> -> memref<80x128xi32, #tpu.memory_space<hbm>>
      tpu.wait_dma2 semaphore(%run_scoped3A : memref<!tpu.dma_semaphore, #tpu.memory_space<semaphore_mem>>) src(%dma_wait3A_51 : memref<80x128xi32, #tpu.memory_space<hbm>>) dst(%arg5 : memref<80x128xi32, #tpu.memory_space<vmem>>)
      tpu.yield
    }) : () -> ()
    "tpu.region"() ({
      %run_scoped3A = tpu.sem_alloc : memref<!tpu.dma_semaphore, #tpu.memory_space<semaphore_mem>>
      %dma_start3A_36 = arith.constant 0 : i32
      %dma_start3A_37 = tpu.memref_slice %arg8[%mul3A_2, %dma_start3A_36] : memref<10112x128xf32, #tpu.memory_space<vmem_shared>> -> memref<632x128xf32, #tpu.memory_space<vmem_shared>>
      %dma_start3A_38 = arith.constant 0 : i32
      %dma_start3A_39 = tpu.memref_slice %arg2[%mul3A_2, %dma_start3A_38] : memref<10112x128xf32, #tpu.memory_space<hbm>> -> memref<632x128xf32, #tpu.memory_space<hbm>>
      tpu.enqueue_dma source(%dma_start3A_39 : memref<632x128xf32, #tpu.memory_space<hbm>>) target(%dma_start3A_37 : memref<632x128xf32, #tpu.memory_space<vmem_shared>>) target_semaphore(%run_scoped3A : memref<!tpu.dma_semaphore, #tpu.memory_space<semaphore_mem>>)
      %dma_wait3A_40 = arith.constant 0 : i32
      %dma_wait3A_41 = tpu.memref_slice %arg8[%mul3A_2, %dma_wait3A_40] : memref<10112x128xf32, #tpu.memory_space<vmem_shared>> -> memref<632x128xf32, #tpu.memory_space<vmem_shared>>
      %dma_wait3A_42 = arith.constant 0 : i32
      %dma_wait3A_43 = tpu.memref_slice %arg2[%mul3A_2, %dma_wait3A_42] : memref<10112x128xf32, #tpu.memory_space<hbm>> -> memref<632x128xf32, #tpu.memory_space<hbm>>
      tpu.wait_dma2 semaphore(%run_scoped3A : memref<!tpu.dma_semaphore, #tpu.memory_space<semaphore_mem>>) src(%dma_wait3A_43 : memref<632x128xf32, #tpu.memory_space<hbm>>) dst(%dma_wait3A_41 : memref<632x128xf32, #tpu.memory_space<vmem_shared>>)
      tpu.yield
    }) : () -> ()
    %barrier3A = arith.constant 0 : index
    tpu.barrier barrier_id(%barrier3A)
    %dma_start3A = arith.constant 0 : i32
    %dma_start3A_5 = arith.constant 0 : i32
    %dma_start3A_6 = tpu.memref_slice %arg5[%dma_start3A, %dma_start3A_5] : memref<80x128xi32, #tpu.memory_space<vmem>> -> memref<1x128xi32, #tpu.memory_space<vmem>>
    %dma_start3A_7 = tpu.memref_squeeze %dma_start3A_6 : memref<1x128xi32, #tpu.memory_space<vmem>> -> memref<128xi32, #tpu.memory_space<vmem>>
    %dma_start3A_8 = arith.constant 0 : i32
    %dma_start3A_9 = arith.constant 0 : i32
    %dma_start3A_10 = tpu.memref_slice %arg8[%dma_start3A_8, %dma_start3A_9] : memref<10112x128xf32, #tpu.memory_space<vmem_shared>> -> memref<10112x128xf32, #tpu.memory_space<vmem_shared>>
    tpu.enqueue_indirect_dma source(%dma_start3A_10 : memref<10112x128xf32, #tpu.memory_space<vmem_shared>>) target(%arg6 : memref<128x128xf32, #tpu.memory_space<vmem>>) offsets(%dma_start3A_7 : memref<128xi32, #tpu.memory_space<vmem>>) semaphore(%arg9 : memref<!tpu.dma_semaphore, #tpu.memory_space<semaphore_mem>>)
    %dma_start3A_11 = arith.constant 1 : i32
    %dma_start3A_12 = arith.constant 0 : i32
    %dma_start3A_13 = tpu.memref_slice %arg5[%dma_start3A_11, %dma_start3A_12] : memref<80x128xi32, #tpu.memory_space<vmem>> -> memref<1x128xi32, #tpu.memory_space<vmem>>
    %dma_start3A_14 = tpu.memref_squeeze %dma_start3A_13 : memref<1x128xi32, #tpu.memory_space<vmem>> -> memref<128xi32, #tpu.memory_space<vmem>>
    %dma_start3A_15 = arith.constant 0 : i32
    %dma_start3A_16 = arith.constant 0 : i32
    %dma_start3A_17 = tpu.memref_slice %arg8[%dma_start3A_15, %dma_start3A_16] : memref<10112x128xf32, #tpu.memory_space<vmem_shared>> -> memref<10112x128xf32, #tpu.memory_space<vmem_shared>>
    tpu.enqueue_indirect_dma source(%dma_start3A_17 : memref<10112x128xf32, #tpu.memory_space<vmem_shared>>) target(%arg7 : memref<128x128xf32, #tpu.memory_space<vmem>>) offsets(%dma_start3A_14 : memref<128xi32, #tpu.memory_space<vmem>>) semaphore(%arg10 : memref<!tpu.dma_semaphore, #tpu.memory_space<semaphore_mem>>)
    %scan3A = arith.constant 0 : i32
    %scan3A_18 = arith.constant 0 : i32
    %scan3A_19 = arith.constant 40 : i32
    %scan3A_20 = arith.addi %scan3A_18, %scan3A_19 : i32
    %scan3A_21 = arith.constant 1 : i32
    scf.for %scan3A_36 = %scan3A_18 to %scan3A_20 step %scan3A_21  : i32 {
      %mul3A_37 = arith.constant 2 : i32
      %mul3A_38 = arith.muli %scan3A_36, %mul3A_37 : i32
      %add3A_39 = arith.constant 2 : i32
      %add3A_40 = arith.addi %mul3A_38, %add3A_39 : i32
      %min3A = arith.constant 79 : i32
      %min3A_41 = arith.minsi %add3A_40, %min3A : i32
      %add3A_42 = arith.constant 3 : i32
      %add3A_43 = arith.addi %mul3A_38, %add3A_42 : i32
      %min3A_44 = arith.constant 79 : i32
      %min3A_45 = arith.minsi %add3A_43, %min3A_44 : i32
      %dma_wait3A_46 = arith.constant 0 : i32
      %dma_wait3A_47 = tpu.memref_slice %arg5[%mul3A_38, %dma_wait3A_46] : memref<80x128xi32, #tpu.memory_space<vmem>> -> memref<1x128xi32, #tpu.memory_space<vmem>>
      %dma_wait3A_48 = tpu.memref_squeeze %dma_wait3A_47 : memref<1x128xi32, #tpu.memory_space<vmem>> -> memref<128xi32, #tpu.memory_space<vmem>>
      %dma_wait3A_49 = arith.constant 0 : i32
      %dma_wait3A_50 = arith.constant 0 : i32
      %dma_wait3A_51 = tpu.memref_slice %arg8[%dma_wait3A_49, %dma_wait3A_50] : memref<10112x128xf32, #tpu.memory_space<vmem_shared>> -> memref<10112x128xf32, #tpu.memory_space<vmem_shared>>
      tpu.wait_indirect_dma semaphore(%arg9 : memref<!tpu.dma_semaphore, #tpu.memory_space<semaphore_mem>>) src(%dma_wait3A_51 : memref<10112x128xf32, #tpu.memory_space<vmem_shared>>) dst(%arg6 : memref<128x128xf32, #tpu.memory_space<vmem>>)
      %mul3A_52 = arith.constant 128 : i32
      %mul3A_53 = arith.muli %mul3A_38, %mul3A_52 : i32
      %add3A_54 = arith.addi %mul3A_4, %mul3A_53 : i32
      %dma_start3A_55 = arith.constant 0 : i32
      %dma_start3A_56 = tpu.memref_slice %arg4[%add3A_54, %dma_start3A_55] : memref<327680x128xf32, #tpu.memory_space<hbm>> -> memref<128x128xf32, #tpu.memory_space<hbm>>
      %dma_start3A_57 = arith.constant 0 : i32
      %dma_start3A_58 = tpu.memref_slice %arg4[%add3A_54, %dma_start3A_57] : memref<327680x128xf32, #tpu.memory_space<hbm>> -> memref<128x128xf32, #tpu.memory_space<hbm>>
      tpu.enqueue_dma source(%arg6 : memref<128x128xf32, #tpu.memory_space<vmem>>) target(%dma_start3A_58 : memref<128x128xf32, #tpu.memory_space<hbm>>) target_semaphore(%arg11 : memref<!tpu.dma_semaphore, #tpu.memory_space<semaphore_mem>>)
      %dma_wait3A_59 = arith.constant 0 : i32
      %dma_wait3A_60 = tpu.memref_slice %arg5[%mul3A_38, %dma_wait3A_59] : memref<80x128xi32, #tpu.memory_space<vmem>> -> memref<1x128xi32, #tpu.memory_space<vmem>>
      %dma_wait3A_61 = tpu.memref_squeeze %dma_wait3A_60 : memref<1x128xi32, #tpu.memory_space<vmem>> -> memref<128xi32, #tpu.memory_space<vmem>>
      %dma_wait3A_62 = arith.constant 0 : i32
      %dma_wait3A_63 = arith.constant 0 : i32
      %dma_wait3A_64 = tpu.memref_slice %arg8[%dma_wait3A_62, %dma_wait3A_63] : memref<10112x128xf32, #tpu.memory_space<vmem_shared>> -> memref<10112x128xf32, #tpu.memory_space<vmem_shared>>
      tpu.wait_indirect_dma semaphore(%arg10 : memref<!tpu.dma_semaphore, #tpu.memory_space<semaphore_mem>>) src(%dma_wait3A_64 : memref<10112x128xf32, #tpu.memory_space<vmem_shared>>) dst(%arg7 : memref<128x128xf32, #tpu.memory_space<vmem>>)
      %add3A_65 = arith.constant 1 : i32
      %add3A_66 = arith.addi %mul3A_38, %add3A_65 : i32
      %mul3A_67 = arith.constant 128 : i32
      %mul3A_68 = arith.muli %add3A_66, %mul3A_67 : i32
      %add3A_69 = arith.addi %mul3A_4, %mul3A_68 : i32
      %dma_start3A_70 = arith.constant 0 : i32
      %dma_start3A_71 = tpu.memref_slice %arg4[%add3A_69, %dma_start3A_70] : memref<327680x128xf32, #tpu.memory_space<hbm>> -> memref<128x128xf32, #tpu.memory_space<hbm>>
      %dma_start3A_72 = arith.constant 0 : i32
      %dma_start3A_73 = tpu.memref_slice %arg4[%add3A_69, %dma_start3A_72] : memref<327680x128xf32, #tpu.memory_space<hbm>> -> memref<128x128xf32, #tpu.memory_space<hbm>>
      tpu.enqueue_dma source(%arg7 : memref<128x128xf32, #tpu.memory_space<vmem>>) target(%dma_start3A_73 : memref<128x128xf32, #tpu.memory_space<hbm>>) target_semaphore(%arg12 : memref<!tpu.dma_semaphore, #tpu.memory_space<semaphore_mem>>)
      %mul3A_74 = arith.constant 128 : i32
      %mul3A_75 = arith.muli %mul3A_38, %mul3A_74 : i32
      %add3A_76 = arith.addi %mul3A_4, %mul3A_75 : i32
      %dma_wait3A_77 = arith.constant 0 : i32
      %dma_wait3A_78 = tpu.memref_slice %arg4[%add3A_76, %dma_wait3A_77] : memref<327680x128xf32, #tpu.memory_space<hbm>> -> memref<128x128xf32, #tpu.memory_space<hbm>>
      %dma_wait3A_79 = arith.constant 0 : i32
      %dma_wait3A_80 = tpu.memref_slice %arg4[%add3A_76, %dma_wait3A_79] : memref<327680x128xf32, #tpu.memory_space<hbm>> -> memref<128x128xf32, #tpu.memory_space<hbm>>
      tpu.wait_dma2 semaphore(%arg11 : memref<!tpu.dma_semaphore, #tpu.memory_space<semaphore_mem>>) src(%arg6 : memref<128x128xf32, #tpu.memory_space<vmem>>) dst(%dma_wait3A_80 : memref<128x128xf32, #tpu.memory_space<hbm>>)
      %dma_start3A_81 = arith.constant 0 : i32
      %dma_start3A_82 = tpu.memref_slice %arg5[%min3A_41, %dma_start3A_81] : memref<80x128xi32, #tpu.memory_space<vmem>> -> memref<1x128xi32, #tpu.memory_space<vmem>>
      %dma_start3A_83 = tpu.memref_squeeze %dma_start3A_82 : memref<1x128xi32, #tpu.memory_space<vmem>> -> memref<128xi32, #tpu.memory_space<vmem>>
      %dma_start3A_84 = arith.constant 0 : i32
      %dma_start3A_85 = arith.constant 0 : i32
      %dma_start3A_86 = tpu.memref_slice %arg8[%dma_start3A_84, %dma_start3A_85] : memref<10112x128xf32, #tpu.memory_space<vmem_shared>> -> memref<10112x128xf32, #tpu.memory_space<vmem_shared>>
      tpu.enqueue_indirect_dma source(%dma_start3A_86 : memref<10112x128xf32, #tpu.memory_space<vmem_shared>>) target(%arg6 : memref<128x128xf32, #tpu.memory_space<vmem>>) offsets(%dma_start3A_83 : memref<128xi32, #tpu.memory_space<vmem>>) semaphore(%arg9 : memref<!tpu.dma_semaphore, #tpu.memory_space<semaphore_mem>>)
      %add3A_87 = arith.constant 1 : i32
      %add3A_88 = arith.addi %mul3A_38, %add3A_87 : i32
      %mul3A_89 = arith.constant 128 : i32
      %mul3A_90 = arith.muli %add3A_88, %mul3A_89 : i32
      %add3A_91 = arith.addi %mul3A_4, %mul3A_90 : i32
      %dma_wait3A_92 = arith.constant 0 : i32
      %dma_wait3A_93 = tpu.memref_slice %arg4[%add3A_91, %dma_wait3A_92] : memref<327680x128xf32, #tpu.memory_space<hbm>> -> memref<128x128xf32, #tpu.memory_space<hbm>>
      %dma_wait3A_94 = arith.constant 0 : i32
      %dma_wait3A_95 = tpu.memref_slice %arg4[%add3A_91, %dma_wait3A_94] : memref<327680x128xf32, #tpu.memory_space<hbm>> -> memref<128x128xf32, #tpu.memory_space<hbm>>
      tpu.wait_dma2 semaphore(%arg12 : memref<!tpu.dma_semaphore, #tpu.memory_space<semaphore_mem>>) src(%arg7 : memref<128x128xf32, #tpu.memory_space<vmem>>) dst(%dma_wait3A_95 : memref<128x128xf32, #tpu.memory_space<hbm>>)
      %dma_start3A_96 = arith.constant 0 : i32
      %dma_start3A_97 = tpu.memref_slice %arg5[%min3A_45, %dma_start3A_96] : memref<80x128xi32, #tpu.memory_space<vmem>> -> memref<1x128xi32, #tpu.memory_space<vmem>>
      %dma_start3A_98 = tpu.memref_squeeze %dma_start3A_97 : memref<1x128xi32, #tpu.memory_space<vmem>> -> memref<128xi32, #tpu.memory_space<vmem>>
      %dma_start3A_99 = arith.constant 0 : i32
      %dma_start3A_100 = arith.constant 0 : i32
      %dma_start3A_101 = tpu.memref_slice %arg8[%dma_start3A_99, %dma_start3A_100] : memref<10112x128xf32, #tpu.memory_space<vmem_shared>> -> memref<10112x128xf32, #tpu.memory_space<vmem_shared>>
      tpu.enqueue_indirect_dma source(%dma_start3A_101 : memref<10112x128xf32, #tpu.memory_space<vmem_shared>>) target(%arg7 : memref<128x128xf32, #tpu.memory_space<vmem>>) offsets(%dma_start3A_98 : memref<128xi32, #tpu.memory_space<vmem>>) semaphore(%arg10 : memref<!tpu.dma_semaphore, #tpu.memory_space<semaphore_mem>>)
    }
    %scan3A_22 = arith.constant 40 : i32
    %dma_wait3A = arith.constant 0 : i32
    %dma_wait3A_23 = arith.constant 0 : i32
    %dma_wait3A_24 = tpu.memref_slice %arg5[%dma_wait3A, %dma_wait3A_23] : memref<80x128xi32, #tpu.memory_space<vmem>> -> memref<1x128xi32, #tpu.memory_space<vmem>>
    %dma_wait3A_25 = tpu.memref_squeeze %dma_wait3A_24 : memref<1x128xi32, #tpu.memory_space<vmem>> -> memref<128xi32, #tpu.memory_space<vmem>>
    %dma_wait3A_26 = arith.constant 0 : i32
    %dma_wait3A_27 = arith.constant 0 : i32
    %dma_wait3A_28 = tpu.memref_slice %arg8[%dma_wait3A_26, %dma_wait3A_27] : memref<10112x128xf32, #tpu.memory_space<vmem_shared>> -> memref<10112x128xf32, #tpu.memory_space<vmem_shared>>
    tpu.wait_indirect_dma semaphore(%arg9 : memref<!tpu.dma_semaphore, #tpu.memory_space<semaphore_mem>>) src(%dma_wait3A_28 : memref<10112x128xf32, #tpu.memory_space<vmem_shared>>) dst(%arg6 : memref<128x128xf32, #tpu.memory_space<vmem>>)
    %dma_wait3A_29 = arith.constant 0 : i32
    %dma_wait3A_30 = arith.constant 0 : i32
    %dma_wait3A_31 = tpu.memref_slice %arg5[%dma_wait3A_29, %dma_wait3A_30] : memref<80x128xi32, #tpu.memory_space<vmem>> -> memref<1x128xi32, #tpu.memory_space<vmem>>
    %dma_wait3A_32 = tpu.memref_squeeze %dma_wait3A_31 : memref<1x128xi32, #tpu.memory_space<vmem>> -> memref<128xi32, #tpu.memory_space<vmem>>
    %dma_wait3A_33 = arith.constant 0 : i32
    %dma_wait3A_34 = arith.constant 0 : i32
    %dma_wait3A_35 = tpu.memref_slice %arg8[%dma_wait3A_33, %dma_wait3A_34] : memref<10112x128xf32, #tpu.memory_space<vmem_shared>> -> memref<10112x128xf32, #tpu.memory_space<vmem_shared>>
    tpu.wait_indirect_dma semaphore(%arg10 : memref<!tpu.dma_semaphore, #tpu.memory_space<semaphore_mem>>) src(%dma_wait3A_35 : memref<10112x128xf32, #tpu.memory_space<vmem_shared>>) dst(%arg7 : memref<128x128xf32, #tpu.memory_space<vmem>>)
    return
  }
}

module attributes {stable_mosaic.version = 14 : i64} {
  func.func @_scale_matmul_body(%arg0: i32, %arg1: memref<632x128xf32, #tpu.memory_space<vmem>>, %arg2: memref<632x1xf32, #tpu.memory_space<vmem>>, %arg3: memref<632x1xf32, #tpu.memory_space<vmem>>, %arg4: memref<128x128xf32, #tpu.memory_space<vmem>>, %arg5: memref<632x128xf32, #tpu.memory_space<vmem>>) attributes {dimension_semantics = [#tpu.dimension_semantics<arbitrary>], iteration_bounds = array<i64: 16>, scalar_prefetch = 0 : i64, scratch_operands = 0 : i64, tpu.core_type = #tpu.core_type<tc>, window_params = [{transform_indices = @transform_0, window_bounds = array<i64: 632, 128>}, {transform_indices = @transform_1, window_bounds = array<i64: 632, 1>}, {transform_indices = @transform_2, window_bounds = array<i64: 632, 1>}, {pipeline_mode = #tpu.pipeline_mode<synchronous>, transform_indices = @transform_3, window_bounds = array<i64: 128, 128>}, {transform_indices = @transform_4, window_bounds = array<i64: 632, 128>}]} {
    %get3A = arith.constant 0 : index
    %get3A_0 = arith.constant 0 : index
    %get3A_1 = vector.load %arg2[%get3A, %get3A_0] : memref<632x1xf32, #tpu.memory_space<vmem>>, vector<632x1xf32>
    %get3A_2 = arith.constant 0 : index
    %get3A_3 = arith.constant 0 : index
    %get3A_4 = vector.load %arg3[%get3A_2, %get3A_3] : memref<632x1xf32, #tpu.memory_space<vmem>>, vector<632x1xf32>
    %add3A = arith.addf %get3A_1, %get3A_4 : vector<632x1xf32>
    %max3A = arith.constant 1.000000e+00 : f32
    %max3A_5 = vector.broadcast %max3A : f32 to vector<632x1xf32>
    %max3A_6 = arith.maximumf %add3A, %max3A_5 : vector<632x1xf32>
    %get3A_7 = arith.constant 0 : index
    %get3A_8 = arith.constant 0 : index
    %get3A_9 = vector.load %arg1[%get3A_7, %get3A_8] : memref<632x128xf32, #tpu.memory_space<vmem>>, vector<632x128xf32>
    %rsqrt3A = math.rsqrt %max3A_6 : vector<632x1xf32>
    %mul3A = vector.broadcast %rsqrt3A : vector<632x1xf32> to vector<632x128xf32>
    %mul3A_10 = arith.mulf %get3A_9, %mul3A : vector<632x128xf32>
    %get3A_11 = arith.constant 0 : index
    %get3A_12 = arith.constant 0 : index
    %get3A_13 = vector.load %arg4[%get3A_11, %get3A_12] : memref<128x128xf32, #tpu.memory_space<vmem>>, vector<128x128xf32>
    %dot_general3A = arith.constant dense<0.000000e+00> : vector<632x128xf32>
    %dot_general3A_14 = tpu.matmul %mul3A_10, %get3A_13, %dot_general3A {dimension_numbers = #tpu.dot_dimension_numbers<[1], [0], [0], [1], [0, 0, 1, 1], [], []>, transpose_lhs_hint = false} : vector<632x128xf32>, vector<128x128xf32>, vector<632x128xf32> -> vector<632x128xf32>
    %swap3A = arith.constant 0 : index
    %swap3A_15 = arith.constant 0 : index
    %swap3A_16 = vector.load %arg5[%swap3A, %swap3A_15] : memref<632x128xf32, #tpu.memory_space<vmem>>, vector<632x128xf32>
    tpu.vector_store %arg5[%swap3A, %swap3A_15], %dot_general3A_14 {strides = array<i32>} : memref<632x128xf32, #tpu.memory_space<vmem>>, vector<632x128xf32>,
    return
  }
  func.func @transform_0(%arg0: i32) -> (i32, i32) {
    %c0_i32 = arith.constant 0 : i32
    %c0_i32_0 = arith.constant 0 : i32
    return %arg0, %c0_i32 : i32, i32
  }
  func.func @transform_1(%arg0: i32) -> (i32, i32) {
    %c0_i32 = arith.constant 0 : i32
    %c0_i32_0 = arith.constant 0 : i32
    return %arg0, %c0_i32 : i32, i32
  }
  func.func @transform_2(%arg0: i32) -> (i32, i32) {
    %c0_i32 = arith.constant 0 : i32
    %c0_i32_0 = arith.constant 0 : i32
    return %arg0, %c0_i32 : i32, i32
  }
  func.func @transform_3(%arg0: i32) -> (i32, i32) {
    %c0_i32 = arith.constant 0 : i32
    %c0_i32_0 = arith.constant 0 : i32
    %c0_i32_1 = arith.constant 0 : i32
    return %c0_i32, %c0_i32_0 : i32, i32
  }
  func.func @transform_4(%arg0: i32) -> (i32, i32) {
    %c0_i32 = arith.constant 0 : i32
    %c0_i32_0 = arith.constant 0 : i32
    return %arg0, %c0_i32 : i32, i32
  }
}

module attributes {stable_mosaic.version = 14 : i64} {
  func.func @_finish_body(%arg0: i32, %arg1: memref<2x1000x128xf32, #tpu.memory_space<vmem>>, %arg2: memref<1000x1xf32, #tpu.memory_space<vmem>>, %arg3: memref<1000x1xf32, #tpu.memory_space<vmem>>, %arg4: memref<1x128xf32, #tpu.memory_space<vmem>>, %arg5: memref<1000x128xf32, #tpu.memory_space<vmem>>) attributes {dimension_semantics = [#tpu.dimension_semantics<arbitrary>], iteration_bounds = array<i64: 10>, scalar_prefetch = 0 : i64, scratch_operands = 0 : i64, tpu.core_type = #tpu.core_type<tc>, window_params = [{transform_indices = @transform_0, window_bounds = array<i64: 2, 1000, 128>}, {transform_indices = @transform_1, window_bounds = array<i64: 1000, 1>}, {transform_indices = @transform_2, window_bounds = array<i64: 1000, 1>}, {pipeline_mode = #tpu.pipeline_mode<synchronous>, transform_indices = @transform_3, window_bounds = array<i64: 1, 128>}, {transform_indices = @transform_4, window_bounds = array<i64: 1000, 128>}]} {
    %get3A = arith.constant 0 : index
    %get3A_0 = arith.constant 0 : index
    %get3A_1 = vector.load %arg2[%get3A, %get3A_0] : memref<1000x1xf32, #tpu.memory_space<vmem>>, vector<1000x1xf32>
    %get3A_2 = arith.constant 0 : index
    %get3A_3 = arith.constant 0 : index
    %get3A_4 = vector.load %arg3[%get3A_2, %get3A_3] : memref<1000x1xf32, #tpu.memory_space<vmem>>, vector<1000x1xf32>
    %add3A = arith.addf %get3A_1, %get3A_4 : vector<1000x1xf32>
    %max3A = arith.constant 1.000000e+00 : f32
    %max3A_5 = vector.broadcast %max3A : f32 to vector<1000x1xf32>
    %max3A_6 = arith.maximumf %add3A, %max3A_5 : vector<1000x1xf32>
    %get3A_7 = arith.constant 0 : index
    %get3A_8 = arith.constant 0 : index
    %get3A_9 = arith.constant 0 : index
    %get3A_10 = vector.load %arg1[%get3A_7, %get3A_8, %get3A_9] : memref<2x1000x128xf32, #tpu.memory_space<vmem>>, vector<1x1000x128xf32>
    %get3A_11 = vector.shape_cast %get3A_10 : vector<1x1000x128xf32> to vector<1000x128xf32>
    %get3A_12 = arith.constant 1 : index
    %get3A_13 = arith.constant 0 : index
    %get3A_14 = arith.constant 0 : index
    %get3A_15 = vector.load %arg1[%get3A_12, %get3A_13, %get3A_14] : memref<2x1000x128xf32, #tpu.memory_space<vmem>>, vector<1x1000x128xf32>
    %get3A_16 = vector.shape_cast %get3A_15 : vector<1x1000x128xf32> to vector<1000x128xf32>
    %add3A_17 = arith.addf %get3A_11, %get3A_16 : vector<1000x128xf32>
    %rsqrt3A = math.rsqrt %max3A_6 : vector<1000x1xf32>
    %mul3A = vector.broadcast %rsqrt3A : vector<1000x1xf32> to vector<1000x128xf32>
    %mul3A_18 = arith.mulf %add3A_17, %mul3A : vector<1000x128xf32>
    %get3A_19 = arith.constant 0 : index
    %get3A_20 = arith.constant 0 : index
    %get3A_21 = vector.load %arg4[%get3A_19, %get3A_20] : memref<1x128xf32, #tpu.memory_space<vmem>>, vector<1x128xf32>
    %add3A_22 = vector.broadcast %get3A_21 : vector<1x128xf32> to vector<1000x128xf32>
    %add3A_23 = arith.addf %mul3A_18, %add3A_22 : vector<1000x128xf32>
    %swap3A = arith.constant 0 : index
    %swap3A_24 = arith.constant 0 : index
    %swap3A_25 = vector.load %arg5[%swap3A, %swap3A_24] : memref<1000x128xf32, #tpu.memory_space<vmem>>, vector<1000x128xf32>
    tpu.vector_store %arg5[%swap3A, %swap3A_24], %add3A_23 {strides = array<i32>} : memref<1000x128xf32, #tpu.memory_space<vmem>>, vector<1000x128xf32>,
    return
  }
  func.func @transform_0(%arg0: i32) -> (i32, i32, i32) {
    %c0_i32 = arith.constant 0 : i32
    %c0_i32_0 = arith.constant 0 : i32
    %c0_i32_1 = arith.constant 0 : i32
    return %c0_i32, %arg0, %c0_i32_0 : i32, i32, i32
  }
  func.func @transform_1(%arg0: i32) -> (i32, i32) {
    %c0_i32 = arith.constant 0 : i32
    %c0_i32_0 = arith.constant 0 : i32
    return %arg0, %c0_i32 : i32, i32
  }
  func.func @transform_2(%arg0: i32) -> (i32, i32) {
    %c0_i32 = arith.constant 0 : i32
    %c0_i32_0 = arith.constant 0 : i32
    return %arg0, %c0_i32 : i32, i32
  }
  func.func @transform_3(%arg0: i32) -> (i32, i32) {
    %c0_i32 = arith.constant 0 : i32
    %c0_i32_0 = arith.constant 0 : i32
    %c0_i32_1 = arith.constant 0 : i32
    return %c0_i32, %c0_i32_0 : i32, i32
  }
  func.func @transform_4(%arg0: i32) -> (i32, i32) {
    %c0_i32 = arith.constant 0 : i32
    %c0_i32_0 = arith.constant 0 : i32
    return %arg0, %c0_i32 : i32, i32
  }
}

</mosaic_0001>

<sc_bundles>
// kernel: kernel.10.cloned.1.call-start
scs
__scs_entry_jumppad:
0x0: {  	(pc) =	sbr.rel $0x88, $3  }
0x1: {  	(tag) =	ssettag $0x0;
	lr =	simm.s32 $0x1  }
0x2: {  	[smem:$0x3F9D] =	sst lr;
	_ =	strace $0xD0000000  }
0x3: {  	_ = 	snop  }
0x4: {  	_ = 	snop  }
0x5: {  	_ = 	snop  }
0x6: {  	_ = 	snop  }
0x7: {  	_ = 	snop  }
__scs_overlays_trampoline_lowered:
0x8: {  	[smem:$0x3FAC] =	sst s0  }
0x9: {  	[smem:$0x3FAD] =	sst s1  }
0xa: {  	[smem:$0x3FAE] =	sst s2  }
0xb: {  	[smem:$0x3FAF] =	sst s3  }
0xc: {  	[smem:$0x3FB0] =	sst s4  }
0xd: {  	[smem:$0x3FB1] =	sst s5  }
0xe: {  	[smem:$0x3FB2] =	sst s6  }
0xf: {  	[smem:$0x3FB3] =	sst s7  }
0x10: {  	[smem:$0x3FB4] =	sst s8  }
0x11: {  	[smem:$0x3FB5] =	sst s9;
	s0 =	simm.s32 @!p0 $0x0  }
0x12: {  	s1 =	sld [smem:$0x3F9B];
	s0 =	simm.s32 @p0 $0x1  }
0x13: {  	[smem:$0x3FB6] =	sst s0;
	s0 =	simm.s32 @!p1 $0x0  }
0x14: {  	s2 =	sld [smem:$0x3F9A];
	s0 =	simm.s32 @p1 $0x1  }
0x15: {  	[smem:$0x3FB7] =	sst s0;
	s0 =	simm.s32 @!p2 $0x0  }
0x16: {  	s3 =	sld [smem:$0x3FDB];
	s0 =	simm.s32 @p2 $0x1  }
0x17: {  	s4 =	simm.s32 $0x1BF5;
	[smem:$0x3FB9] =	sst s0  }
0x18: {  	s0 =	sld [smem:$0x3F9C];
	_ =	swait.ge [sflag:s4], $0x0  }
0x19: {  	s7 =	sld [smem:$0x3F9D]  }
0x1a: {  	s8 =	sadd.s32 $0xFFFFE003, lr  }
0x1b: {  	s9 =	sadd.s32 $0xFFFFFEF7, lr;
	s5 =	simm.s32 $0xFFFFFFFF;
	p2 =	slt.u32 s8, $0xFFFFF086  }
0x1c: {  	p1 =	slt.u32 s9, $0xF7A;
	s5 =	simm.s32 @!p2 $0x0  }
0x1d: {  	s5 =	simm.s32 @p1 $0x1;
	p0 =	seq.s32 s7, s2  }
0x1e: {  	s7 =	smul.u32 @!p0 $0xF7A, s2;
	p2 =	seq.s32 @!p0 s5, $0x0  }
0x1f: {  	s9 =	smul.u32 $0xF7A, s1;
	s8 =	simm.s32 @!p0 $0x1BF5;
	p2 =	por !p2, p0  }
0x20: {  	[sflag:s8] =	ssyncset.s32 @!p0 $0xFFFFF086;
	s6 =	sadd.s32 @!p0 s3, s7;
	s7 =	simm.s32 @!p0 $0x108  }
0x21: {  	s3 =	sadd.s32 s3, s9;
	s6 =	sadd.s32 @!p0 $0x88, s6;
	s7 =	simm.s32 @p2 $0x1082  }
0x22: {  	[simem:s7], [sflag:s8] =	dma.local @!p0 [hbm:s6], $0xF7A  }
0x23: {  	s9 =	sor.u32 $0xD0000000, s2;
	s6 =	simm.s32 $0x108;
	_ =	swait.ge @!p0 [sflag:s8], $0x0  }
0x24: {  	s3 =	sadd.s32 $0x88, s3;
	s6 =	simm.s32 @!p1 $0x1082;
	[sflag:s4] =	ssyncset.s32 $0xFFFFF086  }
0x25: {  	[simem:s6], [sflag:s4] =	dma.local [hbm:s3], $0xF7A  }
0x26: {  	[smem:$0x3F9D] =	sst s1;
	(tag) =	ssettag s2;
	_ =	strace s9  }
0x27: {  	s1 =	sld [smem:$0x3FAD]  }
0x28: {  	s2 =	sld [smem:$0x3FAE]  }
0x29: {  	s4 =	sld [smem:$0x3FB0]  }
0x2a: {  	p0 =	seq.s32 s5, $0x0;
	s5 =	sld [smem:$0x3FB1]  }
0x2b: {  	s6 =	sld [smem:$0x3FB2]  }
0x2c: {  	s7 =	sld [smem:$0x3FB3]  }
0x2d: {  	s3 =	simm.s32 $0x108;
	s8 =	sld [smem:$0x3FB4]  }
0x2e: {  	s3 =	simm.s32 @!p0 $0x1082;
	s9 =	sld [smem:$0x3FB5]  }
0x2f: {  	lr =	sadd.s32 s0, s3;
	s0 =	sld [smem:$0x3FAC]  }
0x30: {  	s3 =	sld [smem:$0x3FAF]  }
0x31: {  	[smem:$0x3FB8] =	sst s10  }
0x32: {  	s10 =	sld [smem:$0x3FB6];
	_ =	sdelay $0x3  }
0x33: {  	p0 =	seq.s32 s10, $0x1;
	s10 =	sld [smem:$0x3FB8];
	_ =	sdelay $0x3  }
0x34: {  	[smem:$0x3FB8] =	sst s10  }
0x35: {  	s10 =	sld [smem:$0x3FB7];
	_ =	sdelay $0x3  }
0x36: {  	p1 =	seq.s32 s10, $0x1;
	s10 =	sld [smem:$0x3FB8];
	_ =	sdelay $0x3  }
0x37: {  	[smem:$0x3FB8] =	sst s10  }
0x38: {  	s10 =	sld [smem:$0x3FB9]  }
0x39: {  	_ = 	snop;
	(pc) =	sbr.ind lr, $3  }
0x3a: {  	_ = 	snop  }
0x3b: {  	_ = 	snop  }
0x3c: {  	p2 =	seq.s32 s10, $0x1;
	s10 =	sld [smem:$0x3FB8]  }
0x3d: {  	_ =	shalt  }
0x3e: {  	_ =	shalt  }
0x3f: {  	_ =	shalt  }
0x40: {  	_ =	shalt  }
0x41: {  	_ =	shalt  }
0x42: {  	_ =	shalt  }
0x43: {  	_ =	shalt  }
0x44: {  	_ =	shalt  }
0x45: {  	_ =	shalt  }
0x46: {  	_ =	shalt  }
0x47: {  	_ =	shalt  }
0x48: {  	_ =	shalt  }
0x49: {  	_ =	shalt  }
0x4a: {  	_ =	shalt  }
0x4b: {  	_ =	shalt  }
0x4c: {  	_ =	shalt  }
0x4d: {  	_ =	shalt  }
0x4e: {  	_ =	shalt  }
0x4f: {  	_ =	shalt  }
0x50: {  	_ =	shalt  }
0x51: {  	_ =	shalt  }
0x52: {  	_ =	shalt  }
0x53: {  	_ =	shalt  }
0x54: {  	_ =	shalt  }
0x55: {  	_ =	shalt  }
0x56: {  	_ =	shalt  }
0x57: {  	_ =	shalt  }
0x58: {  	_ =	shalt  }
0x59: {  	_ =	shalt  }
0x5a: {  	_ =	shalt  }
0x5b: {  	_ =	shalt  }
0x5c: {  	_ =	shalt  }
0x5d: {  	_ =	shalt  }
0x5e: {  	_ =	shalt  }
0x5f: {  	_ =	shalt  }
0x60: {  	_ =	shalt  }
0x61: {  	_ =	shalt  }
0x62: {  	_ =	shalt  }
0x63: {  	_ =	shalt  }
0x64: {  	_ =	shalt  }
0x65: {  	_ =	shalt  }
0x66: {  	_ =	shalt  }
0x67: {  	_ =	shalt  }
0x68: {  	_ =	shalt  }
0x69: {  	_ =	shalt  }
0x6a: {  	_ =	shalt  }
0x6b: {  	_ =	shalt  }
0x6c: {  	_ =	shalt  }
0x6d: {  	_ =	shalt  }
0x6e: {  	_ =	shalt  }
0x6f: {  	_ =	shalt  }
0x70: {  	_ =	shalt  }
0x71: {  	_ =	shalt  }
0x72: {  	_ =	shalt  }
0x73: {  	_ =	shalt  }
0x74: {  	_ =	shalt  }
0x75: {  	_ =	shalt  }
0x76: {  	_ =	shalt  }
0x77: {  	_ =	shalt  }
0x78: {  	_ =	shalt  }
0x79: {  	_ =	shalt  }
0x7a: {  	_ =	shalt  }
0x7b: {  	_ =	shalt  }
0x7c: {  	_ =	shalt  }
0x7d: {  	_ =	shalt  }
0x7e: {  	_ =	shalt  }
0x7f: {  	_ =	shalt  }
0x80: {  	_ =	shalt  }
0x81: {  	_ =	shalt  }
0x82: {  	_ =	shalt  }
0x83: {  	_ =	shalt  }
0x84: {  	_ =	shalt  }
0x85: {  	_ =	shalt  }
0x86: {  	_ =	shalt  }
0x87: {  	_ =	shalt  }
.Lfunc_end0:
.L_simem_size_0:
called_computation.1_lowered:
.L_overlay_start_0:
0x88: {  	s2 =	sld [smem:$0x3FD9]  }
0x89: {  	s3 =	sld [smem:$0x3FFE];
	_ =	sdelay $0x1  }
0x8a: {  	s1 =	srdreg.scid  }
0x8b: {  	s0 =	sand.u32 $0x1, s1  }
0x8c: {  	s17 =	sshll.u32 s0, $0xA;
	s2 =	sadd.s32 s3, s2  }
0x8d: {  	s2 =	sadd.s32 s2, s17  }
0x8e: {  	[smem:$0x3FC4] =	sst s2  }
0x8f: {  	_ = 	snop  }
0x90: {  	s2 =	sld [smem:$0x3FD0];
	(tm) =	ssettm $0x1  }
0x91: {  	s18 =	sld [smem:$0x3FFB];
	_ =	sdelay $0x3  }
0x92: {  	_ =	strace s18  }
0x93: {  	s3 =	sld [smem:$0x3FFC];
	_ =	sdelay $0x3  }
0x94: {  	_ =	strace s3  }
0x95: {  	s3 =	sld [smem:$0x3FFD];
	_ =	sdelay $0x3  }
0x96: {  	_ =	strace s3  }
0x97: {  	_ =	strace $0x8FFFFFFF  }
0x98: {  	s19 =	sld [smem:$0x3FDB];
	_ =	sdelay $0x1  }
0x99: {  	s4 =	simm.s32 $_scs_section_size  }
0x9a: {  	s5 =	simm.s32 $_size__tile_overlayer_lowered;
	s6 =	simm.s32 $_tile_overlayer_lowered  }
0x9b: {  	s22 =	simm.s32 $0x1BFF;
	s21 =	sshll.u32 s6, $0x1;
	s3 =	sadd.s32 s4, s19  }
0x9c: {  	s7 =	simm.s32 $0x0;
	s20 =	sshll.u32 s5, $0x1;
	s5 =	sadd.s32 s21, s3  }
0x9d: {  	[timem:s7], [sflag:s22] =	dma.local [hbm:s5], s20  }
0x9e: {  	_ =	swait.ge [sflag:s22], s20  }
0x9f: {  	s4 =	ssub.s32 $0x0, s20;
	[sflag:s22] =	ssyncset.done $0x0  }
0xa0: {  	[sflag:s22] =	ssyncadd.s32 s4;
	_ =	sdelay $0x1  }
0xa1: {  	s23 =	simm.s32 $0x1B8B  }
0xa2: {  	_ =	swait.ge [sflag:s23], $0x1  }
0xa3: {  	[sflag:s23] =	ssyncset.done $0x0  }
0xa4: {  	s25 =	simm.s32 $0x1B8E;
	s24 =	sld [smem:$0x3FFE];
	[sflag:s23] =	ssyncadd.s32 $0xFFFFFFFF  }
0xa5: {  	s26 =	simm.s32 $execute0_lowered;
	[smem:$0x3FD2] =	sst s25  }
0xa6: {  	s5 =	sshll.u32 s26, $0x1;
	_ =	strace $0x80000049;
	[dreg:$0x1] =	wrdreg $0xFFFFFFFF  }
0xa7: {  	s28 =	simm.s32 $_size_execute0_lowered;
	s3 =	sadd.s32 s3, s5;
	[dreg:$0x0] =	wrdreg $0x0  }
0xa8: {  	s5 =	sshll.u32 s28, $0x1;
	[dreg:$0x2] =	wrdreg s3  }
0xa9: {  	[dreg:$0x3] =	wrdreg s5  }
0xaa: {  	[dreg:$0x4] =	wrdreg $0xC0  }
0xab: {  	_ =	task [dreg:s7], $0x5FFFF  }
0xac: {  	[dreg:$0x1] =	wrdreg $0xFFFFFFFF  }
0xad: {  	[dreg:$0x0] =	wrdreg $0x60  }
0xae: {  	[dreg:$0x2] =	wrdreg s24  }
0xaf: {  	[dreg:$0x3] =	wrdreg s2  }
0xb0: {  	[dreg:$0x4] =	wrdreg $0xA8000  }
0xb1: {  	[dreg:$0x5] =	wrdreg $0x9  }
0xb2: {  	_ =	task.clear_ibuf [dreg:s7], $0x6FFFF;
	_ =	strace $0x90000049  }
0xb3: {  	s29 =	simm.s32 $0x9;
	_ =	strace $0x8000004B  }
0xb4: {  	_ =	swait.ge [sflag:s29], $0x1  }
0xb5: {  	[sflag:s29] =	ssyncadd.s32 $0xFFFFFFFF  }
0xb6: {  	_ =	strace $0x9000004B  }
0xb7: {  	_ =	sfence  }
0xb8: {  	s30 =	sld [smem:$0x0];
	_ =	sdelay $0x2  }
0xb9: {  	s31 =	sshll.u32 s1, $0xD;
	s1 =	sshrl.u32 s1, $0x2  }
0xba: {  	s3 =	sand.u32 $0x4000, s31;
	s1 =	sadd.s32 s1, s30  }
0xbb: {  	s0 =	sor.u32 s3, s0;
	s1 =	sshll.u32 s1, $0x11  }
0xbc: {  	s0 =	sor.u32 s1, s0  }
0xbd: {  	s0 =	sadd.s32 $0x8F2B, s0  }
0xbe: {  	[sflag:s0] =	ssyncadd.remote.s32 $0x1  }
0xbf: {  	_ =	sfence.sel $0xFFFF  }
0xc0: {  	[dreg:$0x0] =	wrdreg $0xFFFFFFFF;
	(pc) =	sbr.abs _section_cstart, $3  }
0xc1: {  	[dreg:$0x1] =	wrdreg $0xFFFFFFFF  }
0xc2: {  	_ =	task.clear_ibuf [dreg:s7], $0x2FFFF;
	_ =	strace $0x9FFFFFFF  }
0xc3: {  	(tm) =	ssettm $0x7FFFFFFF  }
tec
execute0_lowered:
.L_overlay_start_1:
0x0: {  	(tag) =	ssettag $0x1  }
0x1: {  	s4 =	rddreg [dreg:$0x0]  }
0x2: {  	s5 =	rddreg [dreg:$0x1]  }
0x3: {  	s2 =	rddreg [dreg:$0x2]  }
0x4: {  	s1 =	stileid.u32;
	s3 =	srdreg.scid  }
0x5: {  	s0 =	rddreg [dreg:$0x3];
	s7 =	smul.u32 $0x2780, s1  }
0x6: {  	s17 =	simm.s32 $0x2800;
	s18 =	simm.s32 $0x6800;
	s11 =	smul.u32 $0x4F000, s1  }
0x7: {  	s19 =	simm.s32 $0x1;
	s20 =	simm.s32 $0x2;
	s23 =	smul.u32 $0x50000, s1  }
0x8: {  	s8 =	sand.u32 $0x1, s3;
	s6 =	sshll.u32 s1, $0x1;
	s16 =	smul.u32 $0x280000, s1  }
0x9: {  	s3 =	simm.s32 $0x0;
	s14 =	sadd.s32 $0x35600, s4;
	s25 =	smul.u32 $0x28000, s8  }
0xa: {  	s31 =	sshll.u32 s1, $0x6;
	s6 =	sor.u32 s8, s6;
	s26 =	smul.u32 $0x140000, s8  }
0xb: {  	[smem:$0x7FF] =	sst s3;
	s10 =	ssub.s32 $0x2, s8;
	s9 =	smul.u32 $0x500, s6  }
0xc: {  	_ =	strace $0x8000004A;
	s7 =	sadd.s32 s7, s4;
	s13 =	smul.u32 $0x140000, s6  }
0xd: {  	s12 =	sshrl.u32 s10, $0x1;
	s21 =	smul.u32 $0x28000, s6;
	s22 =	sshrl.u32 s11, $0x2  }
0xe: {  	s28 =	sadd.s32 s23, s14;
	s23 =	simm.s32 $0x2700;
	s10 =	ssub.s32 s10, s12  }
0xf: {  	s15 =	sadd.s32 s22, s2;
	s11 =	sadd.s32 s25, s28;
	s29 =	sadd.s32 s26, s16  }
0x10: {  	s16 =	simm.s32 $0x80;
	s22 =	simm.s32 $0x4;
	s25 =	simm.s32 $0x0  }
0x11: {  	s4 =	sadd.s32 s5, s9;
	s24 =	sshrl.u32 s13, $0x3;
	s5 =	sadd.s32 $0xDE00, s7  }
0x12: {  	s6 =	smax.u32 s10, $0x1;
	s12 =	sadd.s32 s21, s14;
	s11 =	sadd.s32 $0x800, s11  }
0x13: {  	s30 =	sshrl.u32 s29, $0x3;
	s15 =	sshrl.u32 s15, $0x3;
	s21 =	simm.s32 $0x3  }
0x14: {  	s13 =	sadd.s32 s14, s24;
	s9 =	sadd.s32 $0x26800, s12;
	s10 =	sadd.s32 $0x27800, s12  }
0x15: {  	s12 =	sadd.s32 s30, s14;
	s14 =	sor.u32 $0x1C05, s31;
	s24 =	simm.s32 $0x2780  }
0x16: {  	s7 =	sadd.s32 $0x27000, s13;
	s8 =	sadd.s32 $0x26000, s13;
	s13 =	simm.s32 $0x5  }
.LBB2_1:
0x17: {  	[tilespmem:s3], [sflag:$0x5] =	stream.linear.gather [hbm4b:s4+s3], $0x2800, $0x38;
	[tilespmem:$0x1E400] =	vst v63  }
0x18: {  	_ =	swait.ge [sflag:s13], $0x2800  }
0x19: {  	[sflag:s13] =	ssyncset.done $0x0  }
0x1a: {  	[sflag:s13] =	ssyncadd.s32 $0xFFFFD800  }
0x1b: {  	[spmem:s15], [sflag:s14] =	dma.local [hbm:s5], $0x2780  }
0x1c: {  	_ =	swait.ge [sflag:s13], $0x2780  }
0x1d: {  	[sflag:s13] =	ssyncset.done $0x0  }
0x1e: {  	[sflag:s13] =	ssyncadd.s32 $0xFFFFD880  }
0x1f: {  	[bflag:$0x0] =	sbarrier.arrive $0xFFFF  }
0x20: {  	[tilespmem:s17], [sflag:$0x1] =	stream.indirect.gather [spmem:s2], $0x80, s3, s16, $0xb8;
	[tilespmem:$0x1E400] =	vst v63  }
0x21: {  	_ = 	snop  }
0x22: {  	[tilespmem:s18], [sflag:$0x2] =	stream.indirect.gather [spmem:s2], $0x80, s16, s16, $0xb8;
	[tilespmem:$0x1E400] =	vst v63  }
0x23: {  	_ =	swait.ge [sflag:s19], $0x4000  }
0x24: {  	[sflag:s19] =	ssyncset.done $0x0  }
0x25: {  	s26 =	sadd.s32 $0x0, s12;
	[sflag:s19] =	ssyncadd.s32 $0xFFFFC000  }
0x26: {  	[hbm4b:s26+s3] =	stream.linear.scatter [tilespmem:s17], [sflag:$0x3], $0x4000, $0x38;
	[tilespmem:$0x1E400] =	vst v63  }
0x27: {  	_ =	swait.ge [sflag:s20], $0x4000  }
0x28: {  	[sflag:s20] =	ssyncset.done $0x0  }
0x29: {  	s30 =	sadd.s32 $0x0, s11;
	[sflag:s20] =	ssyncadd.s32 $0xFFFFC000  }
0x2a: {  	[hbm4b:s30+s3] =	stream.linear.scatter [tilespmem:s18], [sflag:$0x4], $0x4000, $0x38;
	[tilespmem:$0x1E400] =	vst v63  }
0x2b: {  	_ =	swait.ge [sflag:s21], $0x4000  }
0x2c: {  	[sflag:s21] =	ssyncset.done $0x0  }
0x2d: {  	s31 =	simm.s32 $0x100;
	[sflag:s21] =	ssyncadd.s32 $0xFFFFC000  }
0x2e: {  	[tilespmem:s17], [sflag:$0x1] =	stream.indirect.gather [spmem:s2], $0x80, s31, s16, $0xb8;
	[tilespmem:$0x1E400] =	vst v63  }
0x2f: {  	_ =	swait.ge [sflag:s22], $0x4000  }
0x30: {  	s28 =	simm.s32 $0x1000;
	[sflag:s22] =	ssyncset.done $0x0  }
0x31: {  	s29 =	simm.s32 $0x280;
	s26 =	simm.s32 $0x180;
	[sflag:s22] =	ssyncadd.s32 $0xFFFFC000  }
.LBB2_2:
0x32: {  	[tilespmem:s18], [sflag:$0x2] =	stream.indirect.gather [spmem:s2], $0x80, s26, s16, $0xb8;
	[tilespmem:$0x1E400] =	vst v63  }
0x33: {  	s30 =	smov.u32 s28;
	s26 =	smov.u32 s29  }
0x34: {  	p0 =	sne.s32 s28, $0x25000;
	s28 =	sadd.s32 $0x1000, s28;
	_ =	swait.ge [sflag:s19], $0x4000  }
0x35: {  	[sflag:s19] =	ssyncset.done $0x0  }
0x36: {  	s31 =	sadd.s32 s30, s12;
	[sflag:s19] =	ssyncadd.s32 $0xFFFFC000  }
0x37: {  	[hbm4b:s31+s3] =	stream.linear.scatter [tilespmem:s17], [sflag:$0x3], $0x4000, $0x38;
	[tilespmem:$0x1E400] =	vst v63  }
0x38: {  	_ =	swait.ge [sflag:s20], $0x4000  }
0x39: {  	[sflag:s20] =	ssyncset.done $0x0  }
0x3a: {  	s30 =	sadd.s32 s30, s11;
	[sflag:s20] =	ssyncadd.s32 $0xFFFFC000  }
0x3b: {  	[hbm4b:s30+s3] =	stream.linear.scatter [tilespmem:s18], [sflag:$0x4], $0x4000, $0x38;
	[tilespmem:$0x1E400] =	vst v63  }
0x3c: {  	_ =	swait.ge [sflag:s21], $0x4000  }
0x3d: {  	[sflag:s21] =	ssyncset.done $0x0  }
.Ltmp0:
0x3e: {  	s30 =	sadd.s32 $0xFFFFFF80, s29;
	[sflag:s21] =	ssyncadd.s32 $0xFFFFC000;
	(pc) =	sbr.rel @p0 .LBB2_2-.Ltmp0, $4  }
0x3f: {  	[tilespmem:s17], [sflag:$0x1] =	stream.indirect.gather [spmem:s2], $0x80, s30, s16, $0xb8;
	[tilespmem:$0x1E400] =	vst v63  }
0x40: {  	_ =	swait.ge [sflag:s22], $0x4000  }
0x41: {  	[sflag:s22] =	ssyncset.done $0x0  }
0x42: {  	s29 =	sadd.s32 $0x100, s29;
	[sflag:s22] =	ssyncadd.s32 $0xFFFFC000  }
0x43: {  	[tilespmem:s18], [sflag:$0x2] =	stream.indirect.gather [spmem:s2], $0x80, s26, s16, $0xb8;
	[tilespmem:$0x1E400] =	vst v63  }
0x44: {  	_ =	swait.ge [sflag:s19], $0x4000  }
0x45: {  	[sflag:s19] =	ssyncset.done $0x0  }
0x46: {  	[sflag:s19] =	ssyncadd.s32 $0xFFFFC000  }
0x47: {  	[hbm4b:s8+s3] =	stream.linear.scatter [tilespmem:s17], [sflag:$0x3], $0x4000, $0x38;
	[tilespmem:$0x1E400] =	vst v63  }
0x48: {  	_ =	swait.ge [sflag:s20], $0x4000  }
0x49: {  	[sflag:s20] =	ssyncset.done $0x0  }
0x4a: {  	[sflag:s20] =	ssyncadd.s32 $0xFFFFC000  }
0x4b: {  	[hbm4b:s9+s3] =	stream.linear.scatter [tilespmem:s18], [sflag:$0x4], $0x4000, $0x38;
	[tilespmem:$0x1E400] =	vst v63  }
0x4c: {  	_ =	swait.ge [sflag:s21], $0x4000  }
0x4d: {  	[sflag:s21] =	ssyncset.done $0x0  }
0x4e: {  	[sflag:s21] =	ssyncadd.s32 $0xFFFFC000  }
0x4f: {  	[tilespmem:s17], [sflag:$0x1] =	stream.indirect.gather [spmem:s2], $0x80, s23, s16, $0xb8;
	[tilespmem:$0x1E400] =	vst v63  }
0x50: {  	_ =	swait.ge [sflag:s22], $0x4000  }
0x51: {  	[sflag:s22] =	ssyncset.done $0x0  }
0x52: {  	[sflag:s22] =	ssyncadd.s32 $0xFFFFC000  }
0x53: {  	[tilespmem:s18], [sflag:$0x2] =	stream.indirect.gather [spmem:s2], $0x80, s24, s16, $0xb8;
	[tilespmem:$0x1E400] =	vst v63  }
0x54: {  	_ =	swait.ge [sflag:s19], $0x4000  }
0x55: {  	[sflag:s19] =	ssyncset.done $0x0  }
0x56: {  	[sflag:s19] =	ssyncadd.s32 $0xFFFFC000  }
0x57: {  	[hbm4b:s7+s3] =	stream.linear.scatter [tilespmem:s17], [sflag:$0x3], $0x4000, $0x38;
	[tilespmem:$0x1E400] =	vst v63  }
0x58: {  	_ =	swait.ge [sflag:s20], $0x4000  }
0x59: {  	[sflag:s20] =	ssyncset.done $0x0  }
0x5a: {  	[sflag:s20] =	ssyncadd.s32 $0xFFFFC000  }
0x5b: {  	[hbm4b:s10+s3] =	stream.linear.scatter [tilespmem:s18], [sflag:$0x4], $0x4000, $0x38;
	[tilespmem:$0x1E400] =	vst v63  }
0x5c: {  	_ =	swait.ge [sflag:s21], $0x4000  }
0x5d: {  	[sflag:s21] =	ssyncset.done $0x0  }
0x5e: {  	[sflag:s21] =	ssyncadd.s32 $0xFFFFC000  }
0x5f: {  	[tilespmem:s17], [sflag:$0x1] =	stream.indirect.gather [spmem:s2], $0x80, s24, s16, $0xb8;
	[tilespmem:$0x1E400] =	vst v63  }
0x60: {  	_ =	swait.ge [sflag:s22], $0x4000  }
0x61: {  	[sflag:s22] =	ssyncset.done $0x0  }
0x62: {  	s25 =	sadd.s32 $0x1, s25;
	[sflag:s22] =	ssyncadd.s32 $0xFFFFC000  }
0x63: {  	[tilespmem:s18], [sflag:$0x2] =	stream.indirect.gather [spmem:s2], $0x80, s24, s16, $0xb8;
	[tilespmem:$0x1E400] =	vst v63  }
0x64: {  	p0 =	sne.s32 s25, s6;
	_ =	swait.ge [sflag:s19], $0x4000  }
.Ltmp1:
0x65: {  	[sflag:s19] =	ssyncset.done $0x0;
	(pc) =	sbr.rel @p0 .LBB2_1-.Ltmp1, $4  }
0x66: {  	[sflag:s19] =	ssyncadd.s32 $0xFFFFC000  }
0x67: {  	_ =	swait.ge [sflag:s20], $0x4000  }
0x68: {  	[sflag:s20] =	ssyncset.done $0x0  }
0x69: {  	[sflag:s20] =	ssyncadd.s32 $0xFFFFC000  }
0x6a: {  	_ =	sfence.sel $0x180000  }
0x6b: {  	[bflag:$0x0] =	sbarrier.arrive $0xFFFF  }
0x6c: {  	p0 =	sne.s32 s1, $0x0;
	_ =	strace $0x9000004A  }
0x6d: {  	s0 =	sadd.s32 @!p0 $0x100000, s0;
	[bflag:$0x2] =	sbarrier.arrive $0xFFFF  }
0x6e: {  	[sflag:s0] =	ssyncadd.tile.s32 @!p0 $0x1;
	_ =	shalt  }
.Lfunc_end2:
_tile_overlayer_lowered:
.L_overlay_start_2:
0x6f: {  	(tag) =	ssettag $0x2  }
0x70: {  	s0 =	rddreg [dreg:$0x0];
	s2 =	stileid.u32  }
0x71: {  	s1 =	rddreg [dreg:$0x1];
	p0 =	sne.s32 s2, $0x0  }
0x72: {  	s3 =	rddreg [dreg:$0x2];
	[bflag:$0x3] =	sbarrier.arrive $0xFFFF;
	s2 =	simm.s32 @!p0 $0x1C05  }
0x73: {  	[timem:s3], [sflag:s2] =	dma.local @!p0 [hbm:s0], s1  }
0x74: {  	s0 =	simm.s32 @!p0 $0x5  }
0x75: {  	_ =	swait.ge @!p0 [sflag:s0], s1  }
0x76: {  	s1 =	ssub.s32 @!p0 $0x0, s1;
	[sflag:s0] =	ssyncset.done @!p0 $0x0  }
0x77: {  	[sflag:s0] =	ssyncadd.s32 @!p0 s1  }
0x78: {  	[bflag:$0x3] =	sbarrier.arrive $0xFFFF  }
0x79: {  	_ =	shalt  }

// kernel: kernel.13.cloned.1.call-start
scs
__scs_entry_jumppad:
0x0: {  	(pc) =	sbr.rel $0x88, $3  }
0x1: {  	(tag) =	ssettag $0x0;
	lr =	simm.s32 $0x1  }
0x2: {  	[smem:$0x3F9D] =	sst lr;
	_ =	strace $0xD0000000  }
0x3: {  	_ = 	snop  }
0x4: {  	_ = 	snop  }
0x5: {  	_ = 	snop  }
0x6: {  	_ = 	snop  }
0x7: {  	_ = 	snop  }
__scs_overlays_trampoline_lowered:
0x8: {  	[smem:$0x3FAC] =	sst s0  }
0x9: {  	[smem:$0x3FAD] =	sst s1  }
0xa: {  	[smem:$0x3FAE] =	sst s2  }
0xb: {  	[smem:$0x3FAF] =	sst s3  }
0xc: {  	[smem:$0x3FB0] =	sst s4  }
0xd: {  	[smem:$0x3FB1] =	sst s5  }
0xe: {  	[smem:$0x3FB2] =	sst s6  }
0xf: {  	[smem:$0x3FB3] =	sst s7  }
0x10: {  	[smem:$0x3FB4] =	sst s8  }
0x11: {  	[smem:$0x3FB5] =	sst s9;
	s0 =	simm.s32 @!p0 $0x0  }
0x12: {  	s1 =	sld [smem:$0x3F9B];
	s0 =	simm.s32 @p0 $0x1  }
0x13: {  	[smem:$0x3FB6] =	sst s0;
	s0 =	simm.s32 @!p1 $0x0  }
0x14: {  	s2 =	sld [smem:$0x3F9A];
	s0 =	simm.s32 @p1 $0x1  }
0x15: {  	[smem:$0x3FB7] =	sst s0;
	s0 =	simm.s32 @!p2 $0x0  }
0x16: {  	s3 =	sld [smem:$0x3FDB];
	s0 =	simm.s32 @p2 $0x1  }
0x17: {  	s4 =	simm.s32 $0x1BF5;
	[smem:$0x3FB9] =	sst s0  }
0x18: {  	s0 =	sld [smem:$0x3F9C];
	_ =	swait.ge [sflag:s4], $0x0  }
0x19: {  	s7 =	sld [smem:$0x3F9D]  }
0x1a: {  	s8 =	sadd.s32 $0xFFFFE003, lr  }
0x1b: {  	s9 =	sadd.s32 $0xFFFFFEF7, lr;
	s5 =	simm.s32 $0xFFFFFFFF;
	p2 =	slt.u32 s8, $0xFFFFF086  }
0x1c: {  	p1 =	slt.u32 s9, $0xF7A;
	s5 =	simm.s32 @!p2 $0x0  }
0x1d: {  	s5 =	simm.s32 @p1 $0x1;
	p0 =	seq.s32 s7, s2  }
0x1e: {  	s7 =	smul.u32 @!p0 $0xF7A, s2;
	p2 =	seq.s32 @!p0 s5, $0x0  }
0x1f: {  	s9 =	smul.u32 $0xF7A, s1;
	s8 =	simm.s32 @!p0 $0x1BF5;
	p2 =	por !p2, p0  }
0x20: {  	[sflag:s8] =	ssyncset.s32 @!p0 $0xFFFFF086;
	s6 =	sadd.s32 @!p0 s3, s7;
	s7 =	simm.s32 @!p0 $0x108  }
0x21: {  	s3 =	sadd.s32 s3, s9;
	s6 =	sadd.s32 @!p0 $0x88, s6;
	s7 =	simm.s32 @p2 $0x1082  }
0x22: {  	[simem:s7], [sflag:s8] =	dma.local @!p0 [hbm:s6], $0xF7A  }
0x23: {  	s9 =	sor.u32 $0xD0000000, s2;
	s6 =	simm.s32 $0x108;
	_ =	swait.ge @!p0 [sflag:s8], $0x0  }
0x24: {  	s3 =	sadd.s32 $0x88, s3;
	s6 =	simm.s32 @!p1 $0x1082;
	[sflag:s4] =	ssyncset.s32 $0xFFFFF086  }
0x25: {  	[simem:s6], [sflag:s4] =	dma.local [hbm:s3], $0xF7A  }
0x26: {  	[smem:$0x3F9D] =	sst s1;
	(tag) =	ssettag s2;
	_ =	strace s9  }
0x27: {  	s1 =	sld [smem:$0x3FAD]  }
0x28: {  	s2 =	sld [smem:$0x3FAE]  }
0x29: {  	s4 =	sld [smem:$0x3FB0]  }
0x2a: {  	p0 =	seq.s32 s5, $0x0;
	s5 =	sld [smem:$0x3FB1]  }
0x2b: {  	s6 =	sld [smem:$0x3FB2]  }
0x2c: {  	s7 =	sld [smem:$0x3FB3]  }
0x2d: {  	s3 =	simm.s32 $0x108;
	s8 =	sld [smem:$0x3FB4]  }
0x2e: {  	s3 =	simm.s32 @!p0 $0x1082;
	s9 =	sld [smem:$0x3FB5]  }
0x2f: {  	lr =	sadd.s32 s0, s3;
	s0 =	sld [smem:$0x3FAC]  }
0x30: {  	s3 =	sld [smem:$0x3FAF]  }
0x31: {  	[smem:$0x3FB8] =	sst s10  }
0x32: {  	s10 =	sld [smem:$0x3FB6];
	_ =	sdelay $0x3  }
0x33: {  	p0 =	seq.s32 s10, $0x1;
	s10 =	sld [smem:$0x3FB8];
	_ =	sdelay $0x3  }
0x34: {  	[smem:$0x3FB8] =	sst s10  }
0x35: {  	s10 =	sld [smem:$0x3FB7];
	_ =	sdelay $0x3  }
0x36: {  	p1 =	seq.s32 s10, $0x1;
	s10 =	sld [smem:$0x3FB8];
	_ =	sdelay $0x3  }
0x37: {  	[smem:$0x3FB8] =	sst s10  }
0x38: {  	s10 =	sld [smem:$0x3FB9]  }
0x39: {  	_ = 	snop;
	(pc) =	sbr.ind lr, $3  }
0x3a: {  	_ = 	snop  }
0x3b: {  	_ = 	snop  }
0x3c: {  	p2 =	seq.s32 s10, $0x1;
	s10 =	sld [smem:$0x3FB8]  }
0x3d: {  	_ =	shalt  }
0x3e: {  	_ =	shalt  }
0x3f: {  	_ =	shalt  }
0x40: {  	_ =	shalt  }
0x41: {  	_ =	shalt  }
0x42: {  	_ =	shalt  }
0x43: {  	_ =	shalt  }
0x44: {  	_ =	shalt  }
0x45: {  	_ =	shalt  }
0x46: {  	_ =	shalt  }
0x47: {  	_ =	shalt  }
0x48: {  	_ =	shalt  }
0x49: {  	_ =	shalt  }
0x4a: {  	_ =	shalt  }
0x4b: {  	_ =	shalt  }
0x4c: {  	_ =	shalt  }
0x4d: {  	_ =	shalt  }
0x4e: {  	_ =	shalt  }
0x4f: {  	_ =	shalt  }
0x50: {  	_ =	shalt  }
0x51: {  	_ =	shalt  }
0x52: {  	_ =	shalt  }
0x53: {  	_ =	shalt  }
0x54: {  	_ =	shalt  }
0x55: {  	_ =	shalt  }
0x56: {  	_ =	shalt  }
0x57: {  	_ =	shalt  }
0x58: {  	_ =	shalt  }
0x59: {  	_ =	shalt  }
0x5a: {  	_ =	shalt  }
0x5b: {  	_ =	shalt  }
0x5c: {  	_ =	shalt  }
0x5d: {  	_ =	shalt  }
0x5e: {  	_ =	shalt  }
0x5f: {  	_ =	shalt  }
0x60: {  	_ =	shalt  }
0x61: {  	_ =	shalt  }
0x62: {  	_ =	shalt  }
0x63: {  	_ =	shalt  }
0x64: {  	_ =	shalt  }
0x65: {  	_ =	shalt  }
0x66: {  	_ =	shalt  }
0x67: {  	_ =	shalt  }
0x68: {  	_ =	shalt  }
0x69: {  	_ =	shalt  }
0x6a: {  	_ =	shalt  }
0x6b: {  	_ =	shalt  }
0x6c: {  	_ =	shalt  }
0x6d: {  	_ =	shalt  }
0x6e: {  	_ =	shalt  }
0x6f: {  	_ =	shalt  }
0x70: {  	_ =	shalt  }
0x71: {  	_ =	shalt  }
0x72: {  	_ =	shalt  }
0x73: {  	_ =	shalt  }
0x74: {  	_ =	shalt  }
0x75: {  	_ =	shalt  }
0x76: {  	_ =	shalt  }
0x77: {  	_ =	shalt  }
0x78: {  	_ =	shalt  }
0x79: {  	_ =	shalt  }
0x7a: {  	_ =	shalt  }
0x7b: {  	_ =	shalt  }
0x7c: {  	_ =	shalt  }
0x7d: {  	_ =	shalt  }
0x7e: {  	_ =	shalt  }
0x7f: {  	_ =	shalt  }
0x80: {  	_ =	shalt  }
0x81: {  	_ =	shalt  }
0x82: {  	_ =	shalt  }
0x83: {  	_ =	shalt  }
0x84: {  	_ =	shalt  }
0x85: {  	_ =	shalt  }
0x86: {  	_ =	shalt  }
0x87: {  	_ =	shalt  }
.Lfunc_end0:
.L_simem_size_0:
called_computation.2_lowered:
.L_overlay_start_0:
0x88: {  	s2 =	sld [smem:$0x3FD9]  }
0x89: {  	s3 =	sld [smem:$0x3FFE];
	_ =	sdelay $0x1  }
0x8a: {  	s1 =	srdreg.scid  }
0x8b: {  	s0 =	sand.u32 $0x1, s1  }
0x8c: {  	s17 =	sshll.u32 s0, $0xA;
	s2 =	sadd.s32 s3, s2  }
0x8d: {  	s2 =	sadd.s32 s2, s17  }
0x8e: {  	[smem:$0x3FC4] =	sst s2  }
0x8f: {  	_ = 	snop  }
0x90: {  	s2 =	sld [smem:$0x3FD0];
	(tm) =	ssettm $0x1  }
0x91: {  	s18 =	sld [smem:$0x3FFB];
	_ =	sdelay $0x3  }
0x92: {  	_ =	strace s18  }
0x93: {  	s3 =	sld [smem:$0x3FFC];
	_ =	sdelay $0x3  }
0x94: {  	_ =	strace s3  }
0x95: {  	s3 =	sld [smem:$0x3FFD];
	_ =	sdelay $0x3  }
0x96: {  	_ =	strace s3  }
0x97: {  	_ =	strace $0x8FFFFFFF  }
0x98: {  	s19 =	sld [smem:$0x3FDB];
	_ =	sdelay $0x1  }
0x99: {  	s4 =	simm.s32 $_scs_section_size  }
0x9a: {  	s5 =	simm.s32 $_size__tile_overlayer_lowered;
	s6 =	simm.s32 $_tile_overlayer_lowered  }
0x9b: {  	s22 =	simm.s32 $0x1BFF;
	s21 =	sshll.u32 s6, $0x1;
	s3 =	sadd.s32 s4, s19  }
0x9c: {  	s7 =	simm.s32 $0x0;
	s20 =	sshll.u32 s5, $0x1;
	s5 =	sadd.s32 s21, s3  }
0x9d: {  	[timem:s7], [sflag:s22] =	dma.local [hbm:s5], s20  }
0x9e: {  	_ =	swait.ge [sflag:s22], s20  }
0x9f: {  	s4 =	ssub.s32 $0x0, s20;
	[sflag:s22] =	ssyncset.done $0x0  }
0xa0: {  	[sflag:s22] =	ssyncadd.s32 s4;
	_ =	sdelay $0x1  }
0xa1: {  	s23 =	simm.s32 $0x1B8B  }
0xa2: {  	_ =	swait.ge [sflag:s23], $0x1  }
0xa3: {  	[sflag:s23] =	ssyncset.done $0x0  }
0xa4: {  	s25 =	simm.s32 $0x1B8E;
	s24 =	sld [smem:$0x3FFE];
	[sflag:s23] =	ssyncadd.s32 $0xFFFFFFFF  }
0xa5: {  	s26 =	simm.s32 $execute0_lowered;
	[smem:$0x3FD2] =	sst s25  }
0xa6: {  	s5 =	sshll.u32 s26, $0x1;
	_ =	strace $0x8000004C;
	[dreg:$0x1] =	wrdreg $0xFFFFFFFF  }
0xa7: {  	s28 =	simm.s32 $_size_execute0_lowered;
	s3 =	sadd.s32 s3, s5;
	[dreg:$0x0] =	wrdreg $0x0  }
0xa8: {  	s5 =	sshll.u32 s28, $0x1;
	[dreg:$0x2] =	wrdreg s3  }
0xa9: {  	[dreg:$0x3] =	wrdreg s5  }
0xaa: {  	[dreg:$0x4] =	wrdreg $0xC0  }
0xab: {  	_ =	task [dreg:s7], $0x5FFFF  }
0xac: {  	[dreg:$0x1] =	wrdreg $0xFFFFFFFF  }
0xad: {  	[dreg:$0x0] =	wrdreg $0x60  }
0xae: {  	[dreg:$0x2] =	wrdreg s24  }
0xaf: {  	[dreg:$0x3] =	wrdreg s2  }
0xb0: {  	[dreg:$0x4] =	wrdreg $0xA8000  }
0xb1: {  	[dreg:$0x5] =	wrdreg $0x9  }
0xb2: {  	_ =	task.clear_ibuf [dreg:s7], $0x6FFFF;
	_ =	strace $0x9000004C  }
0xb3: {  	s29 =	simm.s32 $0x9;
	_ =	strace $0x8000004E  }
0xb4: {  	_ =	swait.ge [sflag:s29], $0x1  }
0xb5: {  	[sflag:s29] =	ssyncadd.s32 $0xFFFFFFFF  }
0xb6: {  	_ =	strace $0x9000004E  }
0xb7: {  	_ =	sfence  }
0xb8: {  	s30 =	sld [smem:$0x0];
	_ =	sdelay $0x2  }
0xb9: {  	s31 =	sshll.u32 s1, $0xD;
	s1 =	sshrl.u32 s1, $0x2  }
0xba: {  	s3 =	sand.u32 $0x4000, s31;
	s1 =	sadd.s32 s1, s30  }
0xbb: {  	s0 =	sor.u32 s3, s0;
	s1 =	sshll.u32 s1, $0x11  }
0xbc: {  	s0 =	sor.u32 s1, s0  }
0xbd: {  	s0 =	sadd.s32 $0x8F2B, s0  }
0xbe: {  	[sflag:s0] =	ssyncadd.remote.s32 $0x1  }
0xbf: {  	_ =	sfence.sel $0xFFFF  }
0xc0: {  	[dreg:$0x0] =	wrdreg $0xFFFFFFFF;
	(pc) =	sbr.abs _section_cstart, $3  }
0xc1: {  	[dreg:$0x1] =	wrdreg $0xFFFFFFFF  }
0xc2: {  	_ =	task.clear_ibuf [dreg:s7], $0x2FFFF;
	_ =	strace $0x9FFFFFFF  }
0xc3: {  	(tm) =	ssettm $0x7FFFFFFF  }
tec
execute0_lowered:
.L_overlay_start_1:
0x0: {  	(tag) =	ssettag $0x1  }
0x1: {  	s5 =	rddreg [dreg:$0x0]  }
0x2: {  	s1 =	srdreg.scid;
	s2 =	rddreg [dreg:$0x1]  }
0x3: {  	s0 =	stileid.u32;
	s3 =	rddreg [dreg:$0x2];
	s4 =	simm.s32 $0x0  }
0x4: {  	s17 =	simm.s32 $0x2800;
	s18 =	simm.s32 $0x6800;
	s10 =	smul.u32 $0x13C00, s0  }
0x5: {  	s19 =	simm.s32 $0x1;
	s20 =	simm.s32 $0x80;
	s11 =	smul.u32 $0x4F000, s0  }
0x6: {  	s21 =	simm.s32 $0x2;
	s6 =	sand.u32 $0x1, s1;
	s24 =	smul.u32 $0x280000, s0  }
0x7: {  	s22 =	sshll.u32 s0, $0x1;
	s1 =	rddreg [dreg:$0x3];
	s9 =	smul.u32 $0x13C000, s6  }
0x8: {  	[smem:$0x7FF] =	sst s4;
	s7 =	sor.u32 s6, s22;
	s26 =	smul.u32 $0x140000, s6  }
0x9: {  	s13 =	sadd.s32 $0x35600, s5;
	s31 =	sshll.u32 s0, $0x6;
	s8 =	smul.u32 $0x500, s7  }
0xa: {  	_ =	strace $0x8000004D;
	s23 =	ssub.s32 $0x2, s6;
	s12 =	smul.u32 $0x28000, s7  }
0xb: {  	s22 =	simm.s32 $0x2600;
	s14 =	sshrl.u32 s23, $0x1;
	s15 =	smul.u32 $0x140000, s7  }
0xc: {  	s25 =	sshrl.u32 s11, $0x2;
	s9 =	sadd.s32 s10, s9;
	s10 =	ssub.s32 s23, s14  }
0xd: {  	s16 =	sadd.s32 s25, s3;
	s11 =	sadd.s32 s26, s24;
	s23 =	simm.s32 $0x2680  }
0xe: {  	s24 =	simm.s32 $0x2700;
	s25 =	simm.s32 $0x2780;
	s26 =	simm.s32 $0x0  }
0xf: {  	s8 =	sadd.s32 s8, s5;
	s9 =	sshrl.u32 s9, $0x3;
	s28 =	sshrl.u32 s15, $0x3  }
0x10: {  	s14 =	sor.u32 $0x8000, s11;
	s29 =	sor.u32 $0xC000, s11;
	s15 =	sor.u32 $0x1C03, s31  }
0x11: {  	s16 =	sshrl.u32 s16, $0x3;
	s9 =	sadd.s32 s9, s5;
	s5 =	sadd.s32 s13, s12  }
0x12: {  	s6 =	sadd.s32 $0x1A00, s8;
	s12 =	sadd.s32 s13, s28;
	s14 =	sshrl.u32 s14, $0x3  }
0x13: {  	s30 =	sshrl.u32 s29, $0x3;
	s7 =	sadd.s32 $0x800, s5;
	s8 =	sadd.s32 $0x535600, s9  }
0x14: {  	s9 =	smax.u32 s10, $0x1;
	s10 =	sadd.s32 $0x27800, s12;
	s11 =	sadd.s32 $0x27000, s12  }
0x15: {  	s12 =	sadd.s32 s14, s13;
	s13 =	sadd.s32 s30, s13;
	s14 =	simm.s32 $0x3  }
.LBB2_1:
0x16: {  	[tilespmem:s4], [sflag:$0x3] =	stream.linear.gather [hbm4b:s6+s4], $0x2800, $0x38;
	[tilespmem:$0x1E400] =	vst v63  }
0x17: {  	_ =	swait.ge [sflag:s14], $0x2800  }
0x18: {  	[sflag:s14] =	ssyncset.done $0x0  }
0x19: {  	[sflag:s14] =	ssyncadd.s32 $0xFFFFD800  }
0x1a: {  	[spmem:s16], [sflag:s15] =	dma.local [hbm:s2], $0x2780  }
0x1b: {  	_ =	swait.ge [sflag:s14], $0x2780  }
0x1c: {  	[sflag:s14] =	ssyncset.done $0x0  }
0x1d: {  	[sflag:s14] =	ssyncadd.s32 $0xFFFFD880  }
0x1e: {  	[bflag:$0x0] =	sbarrier.arrive $0xFFFF  }
0x1f: {  	[tilespmem:s17], [sflag:$0x1] =	stream.linear.gather [hbm4b:s5+s4], $0x4000, $0x38;
	[tilespmem:$0x1E400] =	vst v63  }
0x20: {  	_ = 	snop  }
0x21: {  	[tilespmem:s18], [sflag:$0x2] =	stream.linear.gather [hbm4b:s7+s4], $0x4000, $0x38;
	[tilespmem:$0x1E400] =	vst v63  }
0x22: {  	_ =	swait.ge [sflag:s19], $0x4000  }
0x23: {  	[sflag:s19] =	ssyncset.done $0x0  }
0x24: {  	s28 =	simm.s32 $0x0;
	[sflag:s19] =	ssyncadd.s32 $0xFFFFC000  }
0x25: {  	[spmem:s3] =	stream.indirect.scatter.add.f32 [tilespmem:s17], [sflag:$0x3], $0x80, s28, s20, $0xb8;
	[tilespmem:$0x1E400] =	vst v63  }
0x26: {  	_ =	swait.ge [sflag:s14], $0x4000  }
0x27: {  	[sflag:s14] =	ssyncset.done $0x0  }
0x28: {  	s28 =	sadd.s32 $0x0, s12;
	[sflag:s14] =	ssyncadd.s32 $0xFFFFC000  }
0x29: {  	[tilespmem:s17], [sflag:$0x1] =	stream.linear.gather [hbm4b:s28+s4], $0x4000, $0x38;
	[tilespmem:$0x1E400] =	vst v63  }
0x2a: {  	_ =	swait.ge [sflag:s21], $0x4000  }
0x2b: {  	[sflag:s21] =	ssyncset.done $0x0  }
0x2c: {  	[sflag:s21] =	ssyncadd.s32 $0xFFFFC000  }
0x2d: {  	[spmem:s3] =	stream.indirect.scatter.add.f32 [tilespmem:s18], [sflag:$0x3], $0x80, s20, s20, $0xb8;
	[tilespmem:$0x1E400] =	vst v63  }
0x2e: {  	_ =	swait.ge [sflag:s14], $0x4000  }
0x2f: {  	s30 =	sadd.s32 $0x0, s13;
	[sflag:s14] =	ssyncset.done $0x0  }
0x30: {  	s29 =	simm.s32 $0x180;
	s28 =	simm.s32 $0x1000;
	[sflag:s14] =	ssyncadd.s32 $0xFFFFC000  }
.LBB2_2:
0x31: {  	[tilespmem:s18], [sflag:$0x2] =	stream.linear.gather [hbm4b:s30+s4], $0x4000, $0x38;
	[tilespmem:$0x1E400] =	vst v63  }
0x32: {  	s30 =	smov.u32 s28  }
0x33: {  	p0 =	sne.s32 s28, $0x25000;
	s28 =	sadd.s32 $0x1000, s28;
	_ =	swait.ge [sflag:s19], $0x4000  }
0x34: {  	[sflag:s19] =	ssyncset.done $0x0  }
0x35: {  	s31 =	sadd.s32 $0xFFFFFF80, s29;
	[sflag:s19] =	ssyncadd.s32 $0xFFFFC000  }
0x36: {  	[spmem:s3] =	stream.indirect.scatter.add.f32 [tilespmem:s17], [sflag:$0x3], $0x80, s31, s20, $0xb8;
	[tilespmem:$0x1E400] =	vst v63  }
0x37: {  	_ =	swait.ge [sflag:s14], $0x4000  }
0x38: {  	[sflag:s14] =	ssyncset.done $0x0  }
0x39: {  	s31 =	sadd.s32 s30, s12;
	[sflag:s14] =	ssyncadd.s32 $0xFFFFC000  }
0x3a: {  	[tilespmem:s17], [sflag:$0x1] =	stream.linear.gather [hbm4b:s31+s4], $0x4000, $0x38;
	[tilespmem:$0x1E400] =	vst v63  }
0x3b: {  	_ =	swait.ge [sflag:s21], $0x4000  }
0x3c: {  	[sflag:s21] =	ssyncset.done $0x0  }
.Ltmp0:
0x3d: {  	[sflag:s21] =	ssyncadd.s32 $0xFFFFC000;
	(pc) =	sbr.rel @p0 .LBB2_2-.Ltmp0, $4  }
0x3e: {  	[spmem:s3] =	stream.indirect.scatter.add.f32 [tilespmem:s18], [sflag:$0x3], $0x80, s29, s20, $0xb8;
	[tilespmem:$0x1E400] =	vst v63  }
0x3f: {  	_ =	swait.ge [sflag:s14], $0x4000  }
0x40: {  	[sflag:s14] =	ssyncset.done $0x0  }
0x41: {  	s30 =	sadd.s32 s30, s13;
	s29 =	sadd.s32 $0x100, s29;
	[sflag:s14] =	ssyncadd.s32 $0xFFFFC000  }
0x42: {  	[tilespmem:s18], [sflag:$0x2] =	stream.linear.gather [hbm4b:s30+s4], $0x4000, $0x38;
	[tilespmem:$0x1E400] =	vst v63  }
0x43: {  	_ =	swait.ge [sflag:s19], $0x4000  }
0x44: {  	[sflag:s19] =	ssyncset.done $0x0  }
0x45: {  	[sflag:s19] =	ssyncadd.s32 $0xFFFFC000  }
0x46: {  	[spmem:s3] =	stream.indirect.scatter.add.f32 [tilespmem:s17], [sflag:$0x3], $0x80, s22, s20, $0xb8;
	[tilespmem:$0x1E400] =	vst v63  }
0x47: {  	_ =	swait.ge [sflag:s14], $0x4000  }
0x48: {  	[sflag:s14] =	ssyncset.done $0x0  }
0x49: {  	[sflag:s14] =	ssyncadd.s32 $0xFFFFC000  }
0x4a: {  	[tilespmem:s17], [sflag:$0x1] =	stream.linear.gather [hbm4b:s11+s4], $0x4000, $0x38;
	[tilespmem:$0x1E400] =	vst v63  }
0x4b: {  	_ =	swait.ge [sflag:s21], $0x4000  }
0x4c: {  	[sflag:s21] =	ssyncset.done $0x0  }
0x4d: {  	[sflag:s21] =	ssyncadd.s32 $0xFFFFC000  }
0x4e: {  	[spmem:s3] =	stream.indirect.scatter.add.f32 [tilespmem:s18], [sflag:$0x3], $0x80, s23, s20, $0xb8;
	[tilespmem:$0x1E400] =	vst v63  }
0x4f: {  	_ =	swait.ge [sflag:s14], $0x4000  }
0x50: {  	[sflag:s14] =	ssyncset.done $0x0  }
0x51: {  	[sflag:s14] =	ssyncadd.s32 $0xFFFFC000  }
0x52: {  	[tilespmem:s18], [sflag:$0x2] =	stream.linear.gather [hbm4b:s10+s4], $0x4000, $0x38;
	[tilespmem:$0x1E400] =	vst v63  }
0x53: {  	_ =	swait.ge [sflag:s19], $0x4000  }
0x54: {  	[sflag:s19] =	ssyncset.done $0x0  }
0x55: {  	[sflag:s19] =	ssyncadd.s32 $0xFFFFC000  }
0x56: {  	[spmem:s3] =	stream.indirect.scatter.add.f32 [tilespmem:s17], [sflag:$0x3], $0x80, s24, s20, $0xb8;
	[tilespmem:$0x1E400] =	vst v63  }
0x57: {  	_ =	swait.ge [sflag:s14], $0x4000  }
0x58: {  	[sflag:s14] =	ssyncset.done $0x0  }
0x59: {  	[sflag:s14] =	ssyncadd.s32 $0xFFFFC000  }
0x5a: {  	[tilespmem:s17], [sflag:$0x1] =	stream.linear.gather [hbm4b:s10+s4], $0x4000, $0x38;
	[tilespmem:$0x1E400] =	vst v63  }
0x5b: {  	_ =	swait.ge [sflag:s21], $0x4000  }
0x5c: {  	[sflag:s21] =	ssyncset.done $0x0  }
0x5d: {  	[sflag:s21] =	ssyncadd.s32 $0xFFFFC000  }
0x5e: {  	[spmem:s3] =	stream.indirect.scatter.add.f32 [tilespmem:s18], [sflag:$0x3], $0x80, s25, s20, $0xb8;
	[tilespmem:$0x1E400] =	vst v63  }
0x5f: {  	_ =	swait.ge [sflag:s14], $0x4000  }
0x60: {  	[sflag:s14] =	ssyncset.done $0x0  }
0x61: {  	[sflag:s14] =	ssyncadd.s32 $0xFFFFC000  }
0x62: {  	[tilespmem:s18], [sflag:$0x2] =	stream.linear.gather [hbm4b:s10+s4], $0x4000, $0x38;
	[tilespmem:$0x1E400] =	vst v63  }
0x63: {  	_ =	swait.ge [sflag:s19], $0x4000  }
0x64: {  	[sflag:s19] =	ssyncset.done $0x0  }
0x65: {  	[sflag:s19] =	ssyncadd.s32 $0xFFFFC000  }
0x66: {  	_ =	swait.ge [sflag:s21], $0x4000  }
0x67: {  	s26 =	sadd.s32 $0x1, s26;
	[sflag:s21] =	ssyncset.done $0x0  }
0x68: {  	p0 =	sne.s32 s26, s9;
	[sflag:s21] =	ssyncadd.s32 $0xFFFFC000  }
.Ltmp1:
0x69: {  	[bflag:$0x0] =	sbarrier.arrive $0xFFFF;
	(pc) =	sbr.rel @p0 .LBB2_1-.Ltmp1, $4  }
0x6a: {  	[hbm:s8], [sflag:s15] =	dma.local [spmem:s16], $0x2780  }
0x6b: {  	_ =	swait.ge [sflag:s14], $0x2780  }
0x6c: {  	[sflag:s14] =	ssyncset.done $0x0  }
0x6d: {  	[sflag:s14] =	ssyncadd.s32 $0xFFFFD880  }
0x6e: {  	_ =	sfence.sel $0x180000  }
0x6f: {  	[bflag:$0x0] =	sbarrier.arrive $0xFFFF  }
0x70: {  	p0 =	sne.s32 s0, $0x0;
	_ =	strace $0x9000004D  }
0x71: {  	s0 =	sadd.s32 @!p0 $0x100000, s1;
	[bflag:$0x2] =	sbarrier.arrive $0xFFFF  }
0x72: {  	[sflag:s0] =	ssyncadd.tile.s32 @!p0 $0x1;
	_ =	shalt  }
.Lfunc_end2:
_tile_overlayer_lowered:
.L_overlay_start_2:
0x73: {  	(tag) =	ssettag $0x2  }
0x74: {  	s0 =	rddreg [dreg:$0x0];
	s2 =	stileid.u32  }
0x75: {  	s1 =	rddreg [dreg:$0x1];
	p0 =	sne.s32 s2, $0x0  }
0x76: {  	s3 =	rddreg [dreg:$0x2];
	[bflag:$0x3] =	sbarrier.arrive $0xFFFF;
	s2 =	simm.s32 @!p0 $0x1C03  }
0x77: {  	[timem:s3], [sflag:s2] =	dma.local @!p0 [hbm:s0], s1  }
0x78: {  	s0 =	simm.s32 @!p0 $0x3  }
0x79: {  	_ =	swait.ge @!p0 [sflag:s0], s1  }
0x7a: {  	s1 =	ssub.s32 @!p0 $0x0, s1;
	[sflag:s0] =	ssyncset.done @!p0 $0x0  }
0x7b: {  	[sflag:s0] =	ssyncadd.s32 @!p0 s1  }
0x7c: {  	[bflag:$0x3] =	sbarrier.arrive $0xFFFF  }
0x7d: {  	_ =	shalt  }

// kernel: kernel.7.cloned.1.call-start
scs
__scs_entry_jumppad:
0x0: {  	(pc) =	sbr.rel $0x88, $3  }
0x1: {  	(tag) =	ssettag $0x0;
	lr =	simm.s32 $0x1  }
0x2: {  	[smem:$0x3F9D] =	sst lr;
	_ =	strace $0xD0000000  }
0x3: {  	_ = 	snop  }
0x4: {  	_ = 	snop  }
0x5: {  	_ = 	snop  }
0x6: {  	_ = 	snop  }
0x7: {  	_ = 	snop  }
__scs_overlays_trampoline_lowered:
0x8: {  	[smem:$0x3FAC] =	sst s0  }
0x9: {  	[smem:$0x3FAD] =	sst s1  }
0xa: {  	[smem:$0x3FAE] =	sst s2  }
0xb: {  	[smem:$0x3FAF] =	sst s3  }
0xc: {  	[smem:$0x3FB0] =	sst s4  }
0xd: {  	[smem:$0x3FB1] =	sst s5  }
0xe: {  	[smem:$0x3FB2] =	sst s6  }
0xf: {  	[smem:$0x3FB3] =	sst s7  }
0x10: {  	[smem:$0x3FB4] =	sst s8  }
0x11: {  	[smem:$0x3FB5] =	sst s9;
	s0 =	simm.s32 @!p0 $0x0  }
0x12: {  	s1 =	sld [smem:$0x3F9B];
	s0 =	simm.s32 @p0 $0x1  }
0x13: {  	[smem:$0x3FB6] =	sst s0;
	s0 =	simm.s32 @!p1 $0x0  }
0x14: {  	s2 =	sld [smem:$0x3F9A];
	s0 =	simm.s32 @p1 $0x1  }
0x15: {  	[smem:$0x3FB7] =	sst s0;
	s0 =	simm.s32 @!p2 $0x0  }
0x16: {  	s3 =	sld [smem:$0x3FDB];
	s0 =	simm.s32 @p2 $0x1  }
0x17: {  	s4 =	simm.s32 $0x1BF5;
	[smem:$0x3FB9] =	sst s0  }
0x18: {  	s0 =	sld [smem:$0x3F9C];
	_ =	swait.ge [sflag:s4], $0x0  }
0x19: {  	s7 =	sld [smem:$0x3F9D]  }
0x1a: {  	s8 =	sadd.s32 $0xFFFFE003, lr  }
0x1b: {  	s9 =	sadd.s32 $0xFFFFFEF7, lr;
	s5 =	simm.s32 $0xFFFFFFFF;
	p2 =	slt.u32 s8, $0xFFFFF086  }
0x1c: {  	p1 =	slt.u32 s9, $0xF7A;
	s5 =	simm.s32 @!p2 $0x0  }
0x1d: {  	s5 =	simm.s32 @p1 $0x1;
	p0 =	seq.s32 s7, s2  }
0x1e: {  	s7 =	smul.u32 @!p0 $0xF7A, s2;
	p2 =	seq.s32 @!p0 s5, $0x0  }
0x1f: {  	s9 =	smul.u32 $0xF7A, s1;
	s8 =	simm.s32 @!p0 $0x1BF5;
	p2 =	por !p2, p0  }
0x20: {  	[sflag:s8] =	ssyncset.s32 @!p0 $0xFFFFF086;
	s6 =	sadd.s32 @!p0 s3, s7;
	s7 =	simm.s32 @!p0 $0x108  }
0x21: {  	s3 =	sadd.s32 s3, s9;
	s6 =	sadd.s32 @!p0 $0x88, s6;
	s7 =	simm.s32 @p2 $0x1082  }
0x22: {  	[simem:s7], [sflag:s8] =	dma.local @!p0 [hbm:s6], $0xF7A  }
0x23: {  	s9 =	sor.u32 $0xD0000000, s2;
	s6 =	simm.s32 $0x108;
	_ =	swait.ge @!p0 [sflag:s8], $0x0  }
0x24: {  	s3 =	sadd.s32 $0x88, s3;
	s6 =	simm.s32 @!p1 $0x1082;
	[sflag:s4] =	ssyncset.s32 $0xFFFFF086  }
0x25: {  	[simem:s6], [sflag:s4] =	dma.local [hbm:s3], $0xF7A  }
0x26: {  	[smem:$0x3F9D] =	sst s1;
	(tag) =	ssettag s2;
	_ =	strace s9  }
0x27: {  	s1 =	sld [smem:$0x3FAD]  }
0x28: {  	s2 =	sld [smem:$0x3FAE]  }
0x29: {  	s4 =	sld [smem:$0x3FB0]  }
0x2a: {  	p0 =	seq.s32 s5, $0x0;
	s5 =	sld [smem:$0x3FB1]  }
0x2b: {  	s6 =	sld [smem:$0x3FB2]  }
0x2c: {  	s7 =	sld [smem:$0x3FB3]  }
0x2d: {  	s3 =	simm.s32 $0x108;
	s8 =	sld [smem:$0x3FB4]  }
0x2e: {  	s3 =	simm.s32 @!p0 $0x1082;
	s9 =	sld [smem:$0x3FB5]  }
0x2f: {  	lr =	sadd.s32 s0, s3;
	s0 =	sld [smem:$0x3FAC]  }
0x30: {  	s3 =	sld [smem:$0x3FAF]  }
0x31: {  	[smem:$0x3FB8] =	sst s10  }
0x32: {  	s10 =	sld [smem:$0x3FB6];
	_ =	sdelay $0x3  }
0x33: {  	p0 =	seq.s32 s10, $0x1;
	s10 =	sld [smem:$0x3FB8];
	_ =	sdelay $0x3  }
0x34: {  	[smem:$0x3FB8] =	sst s10  }
0x35: {  	s10 =	sld [smem:$0x3FB7];
	_ =	sdelay $0x3  }
0x36: {  	p1 =	seq.s32 s10, $0x1;
	s10 =	sld [smem:$0x3FB8];
	_ =	sdelay $0x3  }
0x37: {  	[smem:$0x3FB8] =	sst s10  }
0x38: {  	s10 =	sld [smem:$0x3FB9]  }
0x39: {  	_ = 	snop;
	(pc) =	sbr.ind lr, $3  }
0x3a: {  	_ = 	snop  }
0x3b: {  	_ = 	snop  }
0x3c: {  	p2 =	seq.s32 s10, $0x1;
	s10 =	sld [smem:$0x3FB8]  }
0x3d: {  	_ =	shalt  }
0x3e: {  	_ =	shalt  }
0x3f: {  	_ =	shalt  }
0x40: {  	_ =	shalt  }
0x41: {  	_ =	shalt  }
0x42: {  	_ =	shalt  }
0x43: {  	_ =	shalt  }
0x44: {  	_ =	shalt  }
0x45: {  	_ =	shalt  }
0x46: {  	_ =	shalt  }
0x47: {  	_ =	shalt  }
0x48: {  	_ =	shalt  }
0x49: {  	_ =	shalt  }
0x4a: {  	_ =	shalt  }
0x4b: {  	_ =	shalt  }
0x4c: {  	_ =	shalt  }
0x4d: {  	_ =	shalt  }
0x4e: {  	_ =	shalt  }
0x4f: {  	_ =	shalt  }
0x50: {  	_ =	shalt  }
0x51: {  	_ =	shalt  }
0x52: {  	_ =	shalt  }
0x53: {  	_ =	shalt  }
0x54: {  	_ =	shalt  }
0x55: {  	_ =	shalt  }
0x56: {  	_ =	shalt  }
0x57: {  	_ =	shalt  }
0x58: {  	_ =	shalt  }
0x59: {  	_ =	shalt  }
0x5a: {  	_ =	shalt  }
0x5b: {  	_ =	shalt  }
0x5c: {  	_ =	shalt  }
0x5d: {  	_ =	shalt  }
0x5e: {  	_ =	shalt  }
0x5f: {  	_ =	shalt  }
0x60: {  	_ =	shalt  }
0x61: {  	_ =	shalt  }
0x62: {  	_ =	shalt  }
0x63: {  	_ =	shalt  }
0x64: {  	_ =	shalt  }
0x65: {  	_ =	shalt  }
0x66: {  	_ =	shalt  }
0x67: {  	_ =	shalt  }
0x68: {  	_ =	shalt  }
0x69: {  	_ =	shalt  }
0x6a: {  	_ =	shalt  }
0x6b: {  	_ =	shalt  }
0x6c: {  	_ =	shalt  }
0x6d: {  	_ =	shalt  }
0x6e: {  	_ =	shalt  }
0x6f: {  	_ =	shalt  }
0x70: {  	_ =	shalt  }
0x71: {  	_ =	shalt  }
0x72: {  	_ =	shalt  }
0x73: {  	_ =	shalt  }
0x74: {  	_ =	shalt  }
0x75: {  	_ =	shalt  }
0x76: {  	_ =	shalt  }
0x77: {  	_ =	shalt  }
0x78: {  	_ =	shalt  }
0x79: {  	_ =	shalt  }
0x7a: {  	_ =	shalt  }
0x7b: {  	_ =	shalt  }
0x7c: {  	_ =	shalt  }
0x7d: {  	_ =	shalt  }
0x7e: {  	_ =	shalt  }
0x7f: {  	_ =	shalt  }
0x80: {  	_ =	shalt  }
0x81: {  	_ =	shalt  }
0x82: {  	_ =	shalt  }
0x83: {  	_ =	shalt  }
0x84: {  	_ =	shalt  }
0x85: {  	_ =	shalt  }
0x86: {  	_ =	shalt  }
0x87: {  	_ =	shalt  }
.Lfunc_end0:
.L_simem_size_0:
called_computation_lowered:
.L_overlay_start_0:
0x88: {  	s2 =	sld [smem:$0x3FD9]  }
0x89: {  	s3 =	sld [smem:$0x3FFE];
	_ =	sdelay $0x1  }
0x8a: {  	s1 =	srdreg.scid  }
0x8b: {  	s0 =	sand.u32 $0x1, s1  }
0x8c: {  	s17 =	sshll.u32 s0, $0xA;
	s2 =	sadd.s32 s3, s2  }
0x8d: {  	s2 =	sadd.s32 s2, s17  }
0x8e: {  	[smem:$0x3FC4] =	sst s2  }
0x8f: {  	_ = 	snop  }
0x90: {  	s2 =	sld [smem:$0x3FD0];
	(tm) =	ssettm $0x1  }
0x91: {  	s18 =	sld [smem:$0x3FFB];
	_ =	sdelay $0x3  }
0x92: {  	_ =	strace s18  }
0x93: {  	s3 =	sld [smem:$0x3FFC];
	_ =	sdelay $0x3  }
0x94: {  	_ =	strace s3  }
0x95: {  	s3 =	sld [smem:$0x3FFD];
	_ =	sdelay $0x3  }
0x96: {  	_ =	strace s3  }
0x97: {  	_ =	strace $0x8FFFFFFF  }
0x98: {  	s19 =	sld [smem:$0x3FDB];
	_ =	sdelay $0x1  }
0x99: {  	s4 =	simm.s32 $_scs_section_size  }
0x9a: {  	s5 =	simm.s32 $_size__tile_overlayer_lowered;
	s6 =	simm.s32 $_tile_overlayer_lowered  }
0x9b: {  	s22 =	simm.s32 $0x1BFF;
	s21 =	sshll.u32 s6, $0x1;
	s3 =	sadd.s32 s4, s19  }
0x9c: {  	s7 =	simm.s32 $0x0;
	s20 =	sshll.u32 s5, $0x1;
	s5 =	sadd.s32 s21, s3  }
0x9d: {  	[timem:s7], [sflag:s22] =	dma.local [hbm:s5], s20  }
0x9e: {  	_ =	swait.ge [sflag:s22], s20  }
0x9f: {  	s4 =	ssub.s32 $0x0, s20;
	[sflag:s22] =	ssyncset.done $0x0  }
0xa0: {  	[sflag:s22] =	ssyncadd.s32 s4;
	_ =	sdelay $0x1  }
0xa1: {  	s23 =	simm.s32 $0x1B8B  }
0xa2: {  	_ =	swait.ge [sflag:s23], $0x1  }
0xa3: {  	[sflag:s23] =	ssyncset.done $0x0  }
0xa4: {  	s25 =	simm.s32 $0x1B8E;
	s24 =	sld [smem:$0x3FFE];
	[sflag:s23] =	ssyncadd.s32 $0xFFFFFFFF  }
0xa5: {  	s26 =	simm.s32 $execute0_lowered;
	[smem:$0x3FD2] =	sst s25  }
0xa6: {  	s5 =	sshll.u32 s26, $0x1;
	_ =	strace $0x80000046;
	[dreg:$0x1] =	wrdreg $0xFFFFFFFF  }
0xa7: {  	s28 =	simm.s32 $_size_execute0_lowered;
	s3 =	sadd.s32 s3, s5;
	[dreg:$0x0] =	wrdreg $0x0  }
0xa8: {  	s5 =	sshll.u32 s28, $0x1;
	[dreg:$0x2] =	wrdreg s3  }
0xa9: {  	[dreg:$0x3] =	wrdreg s5  }
0xaa: {  	[dreg:$0x4] =	wrdreg $0xC0  }
0xab: {  	_ =	task [dreg:s7], $0x5FFFF  }
0xac: {  	[dreg:$0x1] =	wrdreg $0xFFFFFFFF  }
0xad: {  	[dreg:$0x0] =	wrdreg $0x60  }
0xae: {  	[dreg:$0x2] =	wrdreg s2  }
0xaf: {  	[dreg:$0x3] =	wrdreg s24  }
0xb0: {  	[dreg:$0x4] =	wrdreg $0x50800  }
0xb1: {  	[dreg:$0x5] =	wrdreg $0x53000  }
0xb2: {  	[dreg:$0x6] =	wrdreg $0x9  }
0xb3: {  	_ =	task.clear_ibuf [dreg:s7], $0x7FFFF;
	_ =	strace $0x90000046  }
0xb4: {  	s29 =	simm.s32 $0x9;
	_ =	strace $0x80000048  }
0xb5: {  	_ =	swait.ge [sflag:s29], $0x1  }
0xb6: {  	[sflag:s29] =	ssyncadd.s32 $0xFFFFFFFF  }
0xb7: {  	_ =	strace $0x90000048  }
0xb8: {  	_ =	sfence  }
0xb9: {  	s30 =	sld [smem:$0x0];
	_ =	sdelay $0x2  }
0xba: {  	s31 =	sshll.u32 s1, $0xD;
	s1 =	sshrl.u32 s1, $0x2  }
0xbb: {  	s3 =	sand.u32 $0x4000, s31;
	s1 =	sadd.s32 s1, s30  }
0xbc: {  	s0 =	sor.u32 s3, s0;
	s1 =	sshll.u32 s1, $0x11  }
0xbd: {  	s0 =	sor.u32 s1, s0  }
0xbe: {  	s0 =	sadd.s32 $0x8F2B, s0  }
0xbf: {  	[sflag:s0] =	ssyncadd.remote.s32 $0x1  }
0xc0: {  	_ =	sfence.sel $0xFFFF  }
0xc1: {  	[dreg:$0x0] =	wrdreg $0xFFFFFFFF;
	(pc) =	sbr.abs _section_cstart, $3  }
0xc2: {  	[dreg:$0x1] =	wrdreg $0xFFFFFFFF  }
0xc3: {  	_ =	task.clear_ibuf [dreg:s7], $0x2FFFF;
	_ =	strace $0x9FFFFFFF  }
0xc4: {  	(tm) =	ssettm $0x7FFFFFFF  }
0xc5: {  	_ =	shalt  }
tec
execute0_lowered:
.L_overlay_start_1:
0x0: {  	(tag) =	ssettag $0x1  }
0x1: {  	s7 =	rddreg [dreg:$0x0]  }
0x2: {  	s8 =	rddreg [dreg:$0x1]  }
0x3: {  	s1 =	srdreg.scid;
	s2 =	rddreg [dreg:$0x2]  }
0x4: {  	s0 =	stileid.u32;
	s3 =	rddreg [dreg:$0x3]  }
0x5: {  	s4 =	simm.s32 $0x0;
	s18 =	simm.s32 $0x80;
	s19 =	simm.s32 $0x1  }
0x6: {  	s20 =	simm.s32 $0x2;
	s21 =	simm.s32 $0x20;
	s22 =	simm.s32 $0x10  }
0x7: {  	s23 =	simm.s32 $0x0;
	s9 =	sand.u32 $0x1, s1;
	s1 =	rddreg [dreg:$0x4]  }
0x8: {  	s25 =	sshll.u32 s0, $0x1;
	[smem:$0x7FF] =	sst s4;
	s14 =	smul.u32 $0x500, s0  }
0x9: {  	s6 =	sadd.s32 $0xBA00, s8;
	s13 =	sadd.s32 $0xBE00, s8;
	s15 =	smul.u32 $0x280, s0  }
0xa: {  	s31 =	sshll.u32 s0, $0x6;
	s5 =	sor.u32 s9, s25;
	_ =	strace $0x80000047  }
0xb: {  	s12 =	ssub.s32 $0x2, s9;
	s9 =	sshll.u32 s9, $0x7;
	s10 =	smul.u32 $0x500, s5  }
0xc: {  	s5 =	sadd.s32 $0xBC00, s8;
	s26 =	sshrl.u32 s12, $0x1;
	s9 =	sor.u32 s9, s14  }
0xd: {  	s16 =	sadd.s32 s15, s2;
	s17 =	sadd.s32 s15, s3;
	s14 =	simm.s32 $0x5000  }
0xe: {  	s15 =	sor.u32 $0x1C03, s31;
	s12 =	ssub.s32 s12, s26;
	s28 =	sshrl.u32 s9, $0x3  }
0xf: {  	s29 =	sadd.s32 $0x5000, s9;
	s16 =	sshrl.u32 s16, $0x3;
	s17 =	sshrl.u32 s17, $0x3  }
0x10: {  	s11 =	sadd.s32 s10, s8;
	s7 =	sadd.s32 s7, s10;
	s30 =	sshrl.u32 s29, $0x3  }
0x11: {  	s9 =	sadd.s32 s13, s28;
	s8 =	sadd.s32 $0x1A00, s11;
	s10 =	sadd.s32 s13, s30  }
0x12: {  	s11 =	smax.u32 s12, $0x1;
	s12 =	simm.s32 $0x3;
	s13 =	simm.s32 $0x2800  }
.LBB2_1:
0x13: {  	[tilespmem:s4], [sflag:$0x3] =	stream.linear.gather [hbm4b:s7+s4], $0x2800, $0x38;
	[tilespmem:$0x5580] =	vst v63  }
0x14: {  	_ =	swait.ge [sflag:s12], $0x2800  }
0x15: {  	[sflag:s12] =	ssyncset.done $0x0  }
0x16: {  	[sflag:s12] =	ssyncadd.s32 $0xFFFFD800  }
0x17: {  	[tilespmem:s13], [sflag:$0x3] =	stream.linear.gather [hbm4b:s8+s4], $0x2800, $0x38;
	[tilespmem:$0x5580] =	vst v63  }
0x18: {  	_ =	swait.ge [sflag:s12], $0x2800  }
0x19: {  	[sflag:s12] =	ssyncset.done $0x0  }
0x1a: {  	[sflag:s12] =	ssyncadd.s32 $0xFFFFD800  }
0x1b: {  	[tilespmem:s14], [sflag:$0x3] =	stream.linear.gather [hbm4b:s5+s4], $0x80, $0x38;
	[tilespmem:$0x5580] =	vst v63  }
0x1c: {  	_ =	swait.ge [sflag:s12], $0x80  }
0x1d: {  	[sflag:s12] =	ssyncset.done $0x0  }
0x1e: {  	[sflag:s12] =	ssyncadd.s32 $0xFFFFFF80  }
0x1f: {  	[spmem:s16], [sflag:s15] =	dma.local [hbm:s6], $0x50  }
0x20: {  	_ =	swait.ge [sflag:s12], $0x50  }
0x21: {  	[sflag:s12] =	ssyncset.done $0x0  }
0x22: {  	[sflag:s12] =	ssyncadd.s32 $0xFFFFFFB0  }
0x23: {  	[spmem:s17], [sflag:s15] =	dma.local [hbm:s6], $0x50  }
0x24: {  	_ =	swait.ge [sflag:s12], $0x50  }
0x25: {  	[sflag:s12] =	ssyncset.done $0x0  }
0x26: {  	[sflag:s12] =	ssyncadd.s32 $0xFFFFFFB0  }
0x27: {  	[bflag:$0x0] =	sbarrier.arrive $0xFFFF  }
0x28: {  	[spmem:s2] =	stream.indirect.scatter.add.f32 [tilespmem:s14], [sflag:$0x1], $0x1, s4, s18, $0xb8;
	[tilespmem:$0x5580] =	vst v63  }
0x29: {  	_ = 	snop  }
0x2a: {  	[spmem:s3] =	stream.indirect.scatter.add.f32 [tilespmem:s14], [sflag:$0x2], $0x1, s13, s18, $0xb8;
	[tilespmem:$0x5580] =	vst v63  }
0x2b: {  	s24 =	simm.s32 $0x80  }
0x2c: {  	[spmem:s2] =	stream.indirect.scatter.add.f32 [tilespmem:s14], [sflag:$0x1], $0x1, s24, s18, $0xb8;
	[tilespmem:$0x5580] =	vst v63  }
0x2d: {  	s31 =	simm.s32 $0x2880  }
0x2e: {  	[spmem:s3] =	stream.indirect.scatter.add.f32 [tilespmem:s14], [sflag:$0x2], $0x1, s31, s18, $0xb8;
	[tilespmem:$0x5580] =	vst v63  }
0x2f: {  	_ =	swait.ge [sflag:s19], $0x80  }
0x30: {  	[sflag:s19] =	ssyncset.done $0x0  }
0x31: {  	[sflag:s19] =	ssyncadd.s32 $0xFFFFFF80  }
0x32: {  	_ =	swait.ge [sflag:s20], $0x80  }
0x33: {  	s25 =	simm.s32 $0x600;
	s24 =	simm.s32 $0x400;
	[sflag:s20] =	ssyncset.done $0x0  }
.LBB2_2:
0x34: {  	s26 =	sshra.s32 s24, $0x2  }
0x35: {  	[sflag:s20] =	ssyncadd.s32 $0xFFFFFF80;
	s24 =	smov.u32 s25;
	s28 =	sadd.s32 $0x200, s25  }
0x36: {  	[spmem:s2] =	stream.indirect.scatter.add.f32 [tilespmem:s14], [sflag:$0x1], $0x1, s26, s18, $0xb8;
	[tilespmem:$0x5580] =	vst v63  }
0x37: {  	p0 =	sne.s32 s25, $0x9E00;
	s25 =	sadd.s32 $0x2800, s26  }
0x38: {  	[spmem:s3] =	stream.indirect.scatter.add.f32 [tilespmem:s14], [sflag:$0x2], $0x1, s25, s18, $0xb8;
	[tilespmem:$0x5580] =	vst v63  }
.Ltmp0:
0x39: {  	_ =	swait.ge [sflag:s19], $0x80;
	(pc) =	sbr.rel @p0 .LBB2_2-.Ltmp0, $4  }
0x3a: {  	[sflag:s19] =	ssyncset.done $0x0  }
0x3b: {  	[sflag:s19] =	ssyncadd.s32 $0xFFFFFF80  }
0x3c: {  	_ =	swait.ge [sflag:s20], $0x80  }
0x3d: {  	s25 =	smov.u32 s28;
	[sflag:s20] =	ssyncset.done $0x0  }
0x3e: {  	s24 =	sshra.s32 s24, $0x2;
	[sflag:s20] =	ssyncadd.s32 $0xFFFFFF80  }
0x3f: {  	[spmem:s2] =	stream.indirect.scatter.add.f32 [tilespmem:s14], [sflag:$0x1], $0x1, s24, s18, $0xb8;
	[tilespmem:$0x5580] =	vst v63  }
0x40: {  	s24 =	sadd.s32 $0x2800, s24  }
0x41: {  	[spmem:s3] =	stream.indirect.scatter.add.f32 [tilespmem:s14], [sflag:$0x2], $0x1, s24, s18, $0xb8;
	[tilespmem:$0x5580] =	vst v63  }
0x42: {  	_ =	swait.ge [sflag:s19], $0x80  }
0x43: {  	[sflag:s19] =	ssyncset.done $0x0  }
0x44: {  	[sflag:s19] =	ssyncadd.s32 $0xFFFFFF80  }
0x45: {  	_ =	swait.ge [sflag:s20], $0x80  }
0x46: {  	[sflag:s20] =	ssyncset.done $0x0  }
0x47: {  	[sflag:s20] =	ssyncadd.s32 $0xFFFFFF80  }
0x48: {  	_ =	swait.ge [sflag:s19], $0x80  }
0x49: {  	[sflag:s19] =	ssyncset.done $0x0  }
0x4a: {  	[sflag:s19] =	ssyncadd.s32 $0xFFFFFF80  }
0x4b: {  	_ =	swait.ge [sflag:s20], $0x80  }
0x4c: {  	[sflag:s20] =	ssyncset.done $0x0  }
0x4d: {  	[sflag:s20] =	ssyncadd.s32 $0xFFFFFF80  }
0x4e: {  	[bflag:$0x0] =	sbarrier.arrive $0xFFFF  }
0x4f: {  	[hbm:s9@s21], [sflag:s15] =	dma.strided [spmem:s16@s22], $0x50, s19, $0x10   }
0x50: {  	s23 =	sadd.s32 $0x1, s23;
	_ =	swait.ge [sflag:s12], $0x50  }
0x51: {  	p0 =	sne.s32 s23, s11;
	[sflag:s12] =	ssyncset.done $0x0  }
.Ltmp1:
0x52: {  	[sflag:s12] =	ssyncadd.s32 $0xFFFFFFB0;
	(pc) =	sbr.rel @p0 .LBB2_1-.Ltmp1, $4  }
0x53: {  	[hbm:s10@s21], [sflag:s15] =	dma.strided [spmem:s17@s22], $0x50, s19, $0x10   }
0x54: {  	_ =	swait.ge [sflag:s12], $0x50  }
0x55: {  	[sflag:s12] =	ssyncset.done $0x0  }
0x56: {  	[sflag:s12] =	ssyncadd.s32 $0xFFFFFFB0  }
0x57: {  	_ =	sfence.sel $0x180000  }
0x58: {  	[bflag:$0x0] =	sbarrier.arrive $0xFFFF  }
0x59: {  	p0 =	sne.s32 s0, $0x0;
	_ =	strace $0x90000047  }
0x5a: {  	s0 =	sadd.s32 @!p0 $0x100000, s1;
	[bflag:$0x2] =	sbarrier.arrive $0xFFFF  }
0x5b: {  	[sflag:s0] =	ssyncadd.tile.s32 @!p0 $0x1;
	_ =	shalt  }
.Lfunc_end2:
_tile_overlayer_lowered:
.L_overlay_start_2:
0x5c: {  	(tag) =	ssettag $0x2  }
0x5d: {  	s0 =	rddreg [dreg:$0x0];
	s2 =	stileid.u32  }
0x5e: {  	s1 =	rddreg [dreg:$0x1];
	p0 =	sne.s32 s2, $0x0  }
0x5f: {  	s3 =	rddreg [dreg:$0x2];
	[bflag:$0x3] =	sbarrier.arrive $0xFFFF;
	s2 =	simm.s32 @!p0 $0x1C03  }
0x60: {  	[timem:s3], [sflag:s2] =	dma.local @!p0 [hbm:s0], s1  }
0x61: {  	s0 =	simm.s32 @!p0 $0x3  }
0x62: {  	_ =	swait.ge @!p0 [sflag:s0], s1  }
0x63: {  	s1 =	ssub.s32 @!p0 $0x0, s1;
	[sflag:s0] =	ssyncset.done @!p0 $0x0  }
0x64: {  	[sflag:s0] =	ssyncadd.s32 @!p0 s1  }
0x65: {  	[bflag:$0x3] =	sbarrier.arrive $0xFFFF  }
0x66: {  	_ =	shalt  }

</sc_bundles>
